<compile_context>
chip_gen: v7x
topology: tpu7x:2x2x1
jax: 0.10.2.dev20260603
libtpu: 0.0.44.dev20260713+nightly
codegen_flags: <defaults>
</compile_context>

<pallas_src>
import functools
import jax
import jax.numpy as jnp
from jax import lax
from jax.experimental import pallas as pl
from jax.experimental.pallas import tpu as pltpu
from jax.experimental.pallas import tpu_sc as plsc

N = 10000
E = 320000
F = 128
R = 8
B = 4

C = 64
NCHP = 320
NCH0 = 236
NCH1 = NCHP - NCH0
EPAD = 16 * NCHP * C
IPAD = 337408
NPAD = 10048
NGARB = NPAD - N
RPT = 640
RSTRIDE = 624
NRING = 4

_TCB = 1000
_ERB = EPAD // F
_ECB = _ERB // (N // _TCB)


def _project_body(wc_ref, x_ref, bases_ref, src_ref, typ_ref, xw_ref, gidx_ref):
    x = x_ref[...]
    for r in range(R):
        w = wc_ref[r, 0] * bases_ref[0]
        for b in range(1, B):
            w = w + wc_ref[r, b] * bases_ref[b]
        xw_ref[:, r * F:(r + 1) * F] = jnp.dot(
            x, w, preferred_element_type=jnp.float32)
    gidx_ref[...] = src_ref[...] * 8 + typ_ref[...]


def _finish_body(p0_ref, p1_ref, x_ref, lw_ref, bias_ref, g_ref, b_ref, out_ref):
    h = (p0_ref[...] + p1_ref[...]
         + jnp.dot(x_ref[...], lw_ref[...], preferred_element_type=jnp.float32)
         + bias_ref[...])
    h = jnp.where(h >= 0, h, 0.1 * h)
    m = jnp.mean(h, axis=1, keepdims=True)
    c = h - m
    v = jnp.mean(c * c, axis=1, keepdims=True)
    out_ref[...] = c * lax.rsqrt(v + 1e-5) * g_ref[...] + b_ref[...]


def _sc_body(xw_hbm, gidx_hbm, dst_hbm, zeros_hbm, out_hbm,
             gidx_v, d0, d1, d2, d3, rows0, rows1, rows2, rows3, agg_sh,
             semg0, semg1, semg2, semg3, semd0, semd1, semd2, semd3):
    cid = lax.axis_index("c")
    sid = lax.axis_index("s")

    pltpu.sync_copy(zeros_hbm.at[pl.ds(sid * RSTRIDE, RPT)],
                    agg_sh.at[pl.ds(sid * RSTRIDE, RPT)])
    plsc.subcore_barrier()

    ebase = (sid * NCHP + cid * NCH0) * C
    nch = NCH0 + cid * (NCH1 - NCH0)
    dbufs = (d0, d1, d2, d3)
    rbufs = (rows0, rows1, rows2, rows3)
    dsems = (semd0, semd1, semd2, semd3)
    gsems = (semg0, semg1, semg2, semg3)

    pltpu.sync_copy(gidx_hbm.at[pl.ds(ebase, NCH0 * C)], gidx_v)

    def gather(k, m):
        pltpu.async_copy(xw_hbm.at[gidx_v.at[pl.ds(k * C, C)]],
                         rbufs[m], gsems[m])

    def gather_wait(k, m):
        pltpu.make_async_copy(xw_hbm.at[gidx_v.at[pl.ds(k * C, C)]],
                              rbufs[m], gsems[m]).wait()

    def dst_load(k, m):
        pltpu.async_copy(dst_hbm.at[pl.ds(ebase + k * C, C)],
                         dbufs[m], dsems[m])

    def dst_wait(m):
        pltpu.make_async_copy(dst_hbm.at[pl.ds(ebase, C)],
                              dbufs[m], dsems[m]).wait()

    for m in range(NRING):
        dst_load(m, m)
        gather(m, m)

    def chunk_step(j, m, last):
        dst_wait(m)
        gather_wait(j, m)
        pltpu.sync_copy(rbufs[m], agg_sh.at[dbufs[m]], add=True)
        if not last:
            gather(j + NRING, m)
            dst_load(j + NRING, m)

    def body(t, carry):
        j0 = NRING * t
        for m in range(NRING):
            chunk_step(j0 + m, m, False)
        return carry

    lax.fori_loop(0, nch // NRING - 1, body, 0)
    j0 = nch - NRING
    for m in range(NRING):
        chunk_step(j0 + m, m, True)

    plsc.subcore_barrier()
    pltpu.sync_copy(agg_sh.at[pl.ds(sid * RSTRIDE, RPT)],
                    out_hbm.at[cid, pl.ds(sid * RSTRIDE, RPT)])


def kernel(node_feats, edge_index, edge_types, bases, w_comp, loop_weight,
           bias, ln_gamma, ln_beta):
    pad = EPAD - E
    src = jnp.pad(edge_index[0].astype(jnp.int32), (0, pad)).reshape(_ERB, F)
    typ = jnp.pad(edge_types.astype(jnp.int32), (0, pad)).reshape(_ERB, F)
    garb = N + (jnp.arange(pad, dtype=jnp.int32) % NGARB)
    dst_flat = jnp.concatenate([edge_index[1].astype(jnp.int32), garb])
    dst_flat = jnp.pad(dst_flat, (0, IPAD - EPAD))

    n_blocks = N // _TCB
    xw, gidx = pl.pallas_call(
        _project_body,
        grid=(n_blocks,),
        in_specs=[
            pl.BlockSpec(memory_space=pltpu.SMEM),
            pl.BlockSpec((_TCB, F), lambda i: (i, 0)),
            pl.BlockSpec((B, F, F), lambda i: (0, 0, 0)),
            pl.BlockSpec((_ECB, F), lambda i: (i, 0)),
            pl.BlockSpec((_ECB, F), lambda i: (i, 0)),
        ],
        out_specs=[
            pl.BlockSpec((_TCB, R * F), lambda i: (i, 0)),
            pl.BlockSpec((_ECB, F), lambda i: (i, 0)),
        ],
        out_shape=[
            jax.ShapeDtypeStruct((N, R * F), jnp.float32),
            jax.ShapeDtypeStruct((_ERB, F), jnp.int32),
        ],
    )(w_comp, node_feats, bases, src, typ)

    xw_rows = xw.reshape(N * R, F)
    gidx_flat = jnp.pad(gidx.reshape(-1), (0, IPAD - EPAD))
    zeros = jnp.zeros((N, F), jnp.float32)

    sc_scatter = functools.partial(
        pl.kernel,
        mesh=plsc.VectorSubcoreMesh(core_axis_name="c", subcore_axis_name="s"),
        out_type=jax.ShapeDtypeStruct((2, N, F), jnp.float32),
        scratch_types=[
            pltpu.VMEM((NCH0 * C,), jnp.int32),
            pltpu.VMEM((C,), jnp.int32),
            pltpu.VMEM((C,), jnp.int32),
            pltpu.VMEM((C,), jnp.int32),
            pltpu.VMEM((C,), jnp.int32),
            pltpu.VMEM((C, F), jnp.float32),
            pltpu.VMEM((C, F), jnp.float32),
            pltpu.VMEM((C, F), jnp.float32),
            pltpu.VMEM((C, F), jnp.float32),
            pltpu.VMEM_SHARED((NPAD, F), jnp.float32),
            pltpu.SemaphoreType.DMA,
            pltpu.SemaphoreType.DMA,
            pltpu.SemaphoreType.DMA,
            pltpu.SemaphoreType.DMA,
            pltpu.SemaphoreType.DMA,
            pltpu.SemaphoreType.DMA,
            pltpu.SemaphoreType.DMA,
            pltpu.SemaphoreType.DMA,
        ],
    )(_sc_body)
    partials = sc_scatter(xw_rows, gidx_flat, dst_flat, zeros)

    out = pl.pallas_call(
        _finish_body,
        grid=(n_blocks,),
        in_specs=[
            pl.BlockSpec((_TCB, F), lambda i: (i, 0)),
            pl.BlockSpec((_TCB, F), lambda i: (i, 0)),
            pl.BlockSpec((_TCB, F), lambda i: (i, 0)),
            pl.BlockSpec((F, F), lambda i: (0, 0)),
            pl.BlockSpec((1, F), lambda i: (0, 0)),
            pl.BlockSpec((1, F), lambda i: (0, 0)),
            pl.BlockSpec((1, F), lambda i: (0, 0)),
        ],
        out_specs=pl.BlockSpec((_TCB, F), lambda i: (i, 0)),
        out_shape=jax.ShapeDtypeStruct((N, F), jnp.float32),
    )(partials[0], partials[1], node_feats, loop_weight,
      bias.reshape(1, F), ln_gamma.reshape(1, F), ln_beta.reshape(1, F))
    return out

# --- scband reference (transcript-rebuilt; emitter-appended) ---
"""Pipeline reference for scband-edge-type-rgcn-27522150432768 (READ-ONLY COPY).

The authoritative reference and input builder live on the scoring server;
editing this copy changes nothing except your own understanding.
"""

import jax, jax.numpy as jnp
import numpy as np

N_NODES = 10000
N_EDGES = 320000
IN_FEAT = 128
OUT_FEAT = 128
NUM_RELS = 8
NUM_BASES = 4


def setup_inputs(seed: int = 0) -> dict:
    key = jax.random.key(seed)
    ks = jax.random.split(key, 8)
    node_feats = jax.random.normal(ks[0], (N_NODES, IN_FEAT), dtype=jnp.float32)
    edge_index = jax.random.randint(ks[1], (2, N_EDGES), 0, N_NODES, dtype=jnp.int64)
    edge_types = jax.random.randint(ks[2], (N_EDGES,), 0, NUM_RELS, dtype=jnp.int64)
    # basis-decomposition parameters of RelGraphConv
    scale = 1.0 / np.sqrt(IN_FEAT)
    bases = jax.random.normal(ks[3], (NUM_BASES, IN_FEAT, OUT_FEAT), dtype=jnp.float32) * scale
    w_comp = jax.random.normal(ks[4], (NUM_RELS, NUM_BASES), dtype=jnp.float32) * (1.0 / np.sqrt(NUM_BASES))
    loop_weight = jax.random.normal(ks[5], (IN_FEAT, OUT_FEAT), dtype=jnp.float32) * scale
    bias = jnp.zeros((OUT_FEAT,), dtype=jnp.float32)
    ln_gamma = jnp.ones((OUT_FEAT,), dtype=jnp.float32)
    ln_beta = jnp.zeros((OUT_FEAT,), dtype=jnp.float32)
    return {
        "node_feats": node_feats,
        "edge_index": edge_index,
        "edge_types": edge_types,
        "bases": bases,
        "w_comp": w_comp,
        "loop_weight": loop_weight,
        "bias": bias,
        "ln_gamma": ln_gamma,
        "ln_beta": ln_beta,
    }


def reference(node_feats, edge_index, edge_types, bases, w_comp, loop_weight, bias, ln_gamma, ln_beta):
    src = edge_index[0]
    dst = edge_index[1]
    # basis regularizer: W_r = sum_b w_comp[r, b] * bases[b]
    W = jnp.einsum('rb,bio->rio', w_comp, bases)  # [R, in, out]
    # low-mem path: project every node by every relation, then gather per edge
    xw = jnp.einsum('ni,rio->nro', node_feats, W)  # [N, R, out]
    msg = xw[src, edge_types]  # [E, out]
    agg = jax.ops.segment_sum(msg, dst, num_segments=node_feats.shape[0])  # sum aggregation
    # self-loop + bias (DGL RelGraphConv defaults)
    h = agg + node_feats @ loop_weight + bias
    # LeakyReLU(0.1)
    h = jnp.where(h >= 0, h, 0.1 * h)
    # LayerNorm over last dim
    mean = jnp.mean(h, axis=-1, keepdims=True)
    var = jnp.var(h, axis=-1, keepdims=True)
    h = (h - mean) / jnp.sqrt(var + 1e-5) * ln_gamma + ln_beta
    return h

if __name__ == "__main__":
    import jax
    _d = setup_inputs()
    print(jax.jit(kernel)(*tuple(_d.values())))

</pallas_src>

<mosaic_0001>
#map = affine_map<(d0, d1) -> (0, 0)>
#map1 = affine_map<(d0, d1) -> (0)>
#map2 = affine_map<(d0, d1) -> (0, 0, 0)>
module attributes {stable_mosaic.version = 14 : i64} {
  func.func @_sc_body(%arg0: i32, %arg1: i32, %arg2: memref<80000x128xf32, #tpu.memory_space<hbm>>, %arg3: memref<337408xi32, #tpu.memory_space<hbm>>, %arg4: memref<337408xi32, #tpu.memory_space<hbm>>, %arg5: memref<10000x128xf32, #tpu.memory_space<hbm>>, %arg6: memref<2x10000x128xf32, #tpu.memory_space<hbm>>, %arg7: memref<15104xi32, #tpu.memory_space<vmem>>, %arg8: memref<64xi32, #tpu.memory_space<vmem>>, %arg9: memref<64xi32, #tpu.memory_space<vmem>>, %arg10: memref<64xi32, #tpu.memory_space<vmem>>, %arg11: memref<64xi32, #tpu.memory_space<vmem>>, %arg12: memref<64x128xf32, #tpu.memory_space<vmem>>, %arg13: memref<64x128xf32, #tpu.memory_space<vmem>>, %arg14: memref<64x128xf32, #tpu.memory_space<vmem>>, %arg15: memref<64x128xf32, #tpu.memory_space<vmem>>, %arg16: memref<10048x128xf32, #tpu.memory_space<vmem_shared>>, %arg17: memref<!tpu.dma_semaphore, #tpu.memory_space<semaphore_mem>>, %arg18: memref<!tpu.dma_semaphore, #tpu.memory_space<semaphore_mem>>, %arg19: memref<!tpu.dma_semaphore, #tpu.memory_space<semaphore_mem>>, %arg20: memref<!tpu.dma_semaphore, #tpu.memory_space<semaphore_mem>>, %arg21: memref<!tpu.dma_semaphore, #tpu.memory_space<semaphore_mem>>, %arg22: memref<!tpu.dma_semaphore, #tpu.memory_space<semaphore_mem>>, %arg23: memref<!tpu.dma_semaphore, #tpu.memory_space<semaphore_mem>>, %arg24: memref<!tpu.dma_semaphore, #tpu.memory_space<semaphore_mem>>) attributes {dimension_semantics = [#tpu.dimension_semantics<core_parallel>, #tpu.dimension_semantics<subcore_parallel>], iteration_bounds = array<i64: 2, 16>, scalar_prefetch = 0 : i64, scratch_operands = 18 : i64, tpu.core_type = #tpu.core_type<sc_vector_subcore>, window_params = [{transform_indices = #map}, {transform_indices = #map1}, {transform_indices = #map1}, {transform_indices = #map}, {transform_indices = #map2}]} {
    %mul3A = arith.constant 624 : i32
    %mul3A_0 = arith.muli %arg1, %mul3A : i32
    %mul3A_1 = arith.constant 624 : i32
    %mul3A_2 = arith.muli %arg1, %mul3A_1 : i32
    "tpu.region"() ({
      %run_scoped3A = tpu.sem_alloc : memref<!tpu.dma_semaphore, #tpu.memory_space<semaphore_mem>>
      %dma_start3A_121 = arith.constant 0 : i32
      %dma_start3A_122 = tpu.memref_slice %arg16[%mul3A_2, %dma_start3A_121] : memref<10048x128xf32, #tpu.memory_space<vmem_shared>> -> memref<640x128xf32, #tpu.memory_space<vmem_shared>>
      %dma_start3A_123 = arith.constant 0 : i32
      %dma_start3A_124 = tpu.memref_slice %arg5[%mul3A_0, %dma_start3A_123] : memref<10000x128xf32, #tpu.memory_space<hbm>> -> memref<640x128xf32, #tpu.memory_space<hbm>>
      tpu.enqueue_dma source(%dma_start3A_124 : memref<640x128xf32, #tpu.memory_space<hbm>>) target(%dma_start3A_122 : memref<640x128xf32, #tpu.memory_space<vmem_shared>>) target_semaphore(%run_scoped3A : memref<!tpu.dma_semaphore, #tpu.memory_space<semaphore_mem>>)
      %dma_wait3A_125 = arith.constant 0 : i32
      %dma_wait3A_126 = tpu.memref_slice %arg16[%mul3A_2, %dma_wait3A_125] : memref<10048x128xf32, #tpu.memory_space<vmem_shared>> -> memref<640x128xf32, #tpu.memory_space<vmem_shared>>
      %dma_wait3A_127 = arith.constant 0 : i32
      %dma_wait3A_128 = tpu.memref_slice %arg5[%mul3A_0, %dma_wait3A_127] : memref<10000x128xf32, #tpu.memory_space<hbm>> -> memref<640x128xf32, #tpu.memory_space<hbm>>
      tpu.wait_dma2 semaphore(%run_scoped3A : memref<!tpu.dma_semaphore, #tpu.memory_space<semaphore_mem>>) src(%dma_wait3A_128 : memref<640x128xf32, #tpu.memory_space<hbm>>) dst(%dma_wait3A_126 : memref<640x128xf32, #tpu.memory_space<vmem_shared>>)
      tpu.yield
    }) : () -> ()
    %barrier3A = arith.constant 0 : index
    tpu.barrier barrier_id(%barrier3A)
    %mul3A_3 = arith.constant 320 : i32
    %mul3A_4 = arith.muli %arg1, %mul3A_3 : i32
    %mul3A_5 = arith.constant 236 : i32
    %mul3A_6 = arith.muli %arg0, %mul3A_5 : i32
    %add3A = arith.addi %mul3A_4, %mul3A_6 : i32
    %mul3A_7 = arith.constant 64 : i32
    %mul3A_8 = arith.muli %add3A, %mul3A_7 : i32
    %mul3A_9 = arith.constant -152 : i32
    %mul3A_10 = arith.muli %arg0, %mul3A_9 : i32
    %add3A_11 = arith.constant 236 : i32
    %add3A_12 = arith.addi %add3A_11, %mul3A_10 : i32
    "tpu.region"() ({
      %run_scoped3A = tpu.sem_alloc : memref<!tpu.dma_semaphore, #tpu.memory_space<semaphore_mem>>
      %dma_start3A_121 = tpu.memref_slice %arg3[%mul3A_8] : memref<337408xi32, #tpu.memory_space<hbm>> -> memref<15104xi32, #tpu.memory_space<hbm>>
      %dma_start3A_122 = tpu.memref_slice %arg3[%mul3A_8] : memref<337408xi32, #tpu.memory_space<hbm>> -> memref<15104xi32, #tpu.memory_space<hbm>>
      tpu.enqueue_dma source(%dma_start3A_122 : memref<15104xi32, #tpu.memory_space<hbm>>) target(%arg7 : memref<15104xi32, #tpu.memory_space<vmem>>) target_semaphore(%run_scoped3A : memref<!tpu.dma_semaphore, #tpu.memory_space<semaphore_mem>>)
      %dma_wait3A_123 = tpu.memref_slice %arg3[%mul3A_8] : memref<337408xi32, #tpu.memory_space<hbm>> -> memref<15104xi32, #tpu.memory_space<hbm>>
      %dma_wait3A_124 = tpu.memref_slice %arg3[%mul3A_8] : memref<337408xi32, #tpu.memory_space<hbm>> -> memref<15104xi32, #tpu.memory_space<hbm>>
      tpu.wait_dma2 semaphore(%run_scoped3A : memref<!tpu.dma_semaphore, #tpu.memory_space<semaphore_mem>>) src(%dma_wait3A_124 : memref<15104xi32, #tpu.memory_space<hbm>>) dst(%arg7 : memref<15104xi32, #tpu.memory_space<vmem>>)
      tpu.yield
    }) : () -> ()
    %add3A_13 = arith.constant 0 : i32
    %add3A_14 = arith.addi %mul3A_8, %add3A_13 : i32
    %dma_start3A = tpu.memref_slice %arg4[%add3A_14] : memref<337408xi32, #tpu.memory_space<hbm>> -> memref<64xi32, #tpu.memory_space<hbm>>
    %dma_start3A_15 = tpu.memref_slice %arg4[%add3A_14] : memref<337408xi32, #tpu.memory_space<hbm>> -> memref<64xi32, #tpu.memory_space<hbm>>
    tpu.enqueue_dma source(%dma_start3A_15 : memref<64xi32, #tpu.memory_space<hbm>>) target(%arg8 : memref<64xi32, #tpu.memory_space<vmem>>) target_semaphore(%arg21 : memref<!tpu.dma_semaphore, #tpu.memory_space<semaphore_mem>>)
    %dma_start3A_16 = arith.constant 0 : i32
    %dma_start3A_17 = tpu.memref_slice %arg7[%dma_start3A_16] : memref<15104xi32, #tpu.memory_space<vmem>> -> memref<64xi32, #tpu.memory_space<vmem>>
    %dma_start3A_18 = arith.constant 0 : i32
    %dma_start3A_19 = arith.constant 0 : i32
    %dma_start3A_20 = tpu.memref_slice %arg2[%dma_start3A_18, %dma_start3A_19] : memref<80000x128xf32, #tpu.memory_space<hbm>> -> memref<80000x128xf32, #tpu.memory_space<hbm>>
    tpu.enqueue_indirect_dma source(%dma_start3A_20 : memref<80000x128xf32, #tpu.memory_space<hbm>>) target(%arg12 : memref<64x128xf32, #tpu.memory_space<vmem>>) offsets(%dma_start3A_17 : memref<64xi32, #tpu.memory_space<vmem>>) semaphore(%arg17 : memref<!tpu.dma_semaphore, #tpu.memory_space<semaphore_mem>>)
    %add3A_21 = arith.constant 64 : i32
    %add3A_22 = arith.addi %mul3A_8, %add3A_21 : i32
    %dma_start3A_23 = tpu.memref_slice %arg4[%add3A_22] : memref<337408xi32, #tpu.memory_space<hbm>> -> memref<64xi32, #tpu.memory_space<hbm>>
    %dma_start3A_24 = tpu.memref_slice %arg4[%add3A_22] : memref<337408xi32, #tpu.memory_space<hbm>> -> memref<64xi32, #tpu.memory_space<hbm>>
    tpu.enqueue_dma source(%dma_start3A_24 : memref<64xi32, #tpu.memory_space<hbm>>) target(%arg9 : memref<64xi32, #tpu.memory_space<vmem>>) target_semaphore(%arg22 : memref<!tpu.dma_semaphore, #tpu.memory_space<semaphore_mem>>)
    %dma_start3A_25 = arith.constant 64 : i32
    %dma_start3A_26 = tpu.memref_slice %arg7[%dma_start3A_25] : memref<15104xi32, #tpu.memory_space<vmem>> -> memref<64xi32, #tpu.memory_space<vmem>>
    %dma_start3A_27 = arith.constant 0 : i32
    %dma_start3A_28 = arith.constant 0 : i32
    %dma_start3A_29 = tpu.memref_slice %arg2[%dma_start3A_27, %dma_start3A_28] : memref<80000x128xf32, #tpu.memory_space<hbm>> -> memref<80000x128xf32, #tpu.memory_space<hbm>>
    tpu.enqueue_indirect_dma source(%dma_start3A_29 : memref<80000x128xf32, #tpu.memory_space<hbm>>) target(%arg13 : memref<64x128xf32, #tpu.memory_space<vmem>>) offsets(%dma_start3A_26 : memref<64xi32, #tpu.memory_space<vmem>>) semaphore(%arg18 : memref<!tpu.dma_semaphore, #tpu.memory_space<semaphore_mem>>)
    %add3A_30 = arith.constant 128 : i32
    %add3A_31 = arith.addi %mul3A_8, %add3A_30 : i32
    %dma_start3A_32 = tpu.memref_slice %arg4[%add3A_31] : memref<337408xi32, #tpu.memory_space<hbm>> -> memref<64xi32, #tpu.memory_space<hbm>>
    %dma_start3A_33 = tpu.memref_slice %arg4[%add3A_31] : memref<337408xi32, #tpu.memory_space<hbm>> -> memref<64xi32, #tpu.memory_space<hbm>>
    tpu.enqueue_dma source(%dma_start3A_33 : memref<64xi32, #tpu.memory_space<hbm>>) target(%arg10 : memref<64xi32, #tpu.memory_space<vmem>>) target_semaphore(%arg23 : memref<!tpu.dma_semaphore, #tpu.memory_space<semaphore_mem>>)
    %dma_start3A_34 = arith.constant 128 : i32
    %dma_start3A_35 = tpu.memref_slice %arg7[%dma_start3A_34] : memref<15104xi32, #tpu.memory_space<vmem>> -> memref<64xi32, #tpu.memory_space<vmem>>
    %dma_start3A_36 = arith.constant 0 : i32
    %dma_start3A_37 = arith.constant 0 : i32
    %dma_start3A_38 = tpu.memref_slice %arg2[%dma_start3A_36, %dma_start3A_37] : memref<80000x128xf32, #tpu.memory_space<hbm>> -> memref<80000x128xf32, #tpu.memory_space<hbm>>
    tpu.enqueue_indirect_dma source(%dma_start3A_38 : memref<80000x128xf32, #tpu.memory_space<hbm>>) target(%arg14 : memref<64x128xf32, #tpu.memory_space<vmem>>) offsets(%dma_start3A_35 : memref<64xi32, #tpu.memory_space<vmem>>) semaphore(%arg19 : memref<!tpu.dma_semaphore, #tpu.memory_space<semaphore_mem>>)
    %add3A_39 = arith.constant 192 : i32
    %add3A_40 = arith.addi %mul3A_8, %add3A_39 : i32
    %dma_start3A_41 = tpu.memref_slice %arg4[%add3A_40] : memref<337408xi32, #tpu.memory_space<hbm>> -> memref<64xi32, #tpu.memory_space<hbm>>
    %dma_start3A_42 = tpu.memref_slice %arg4[%add3A_40] : memref<337408xi32, #tpu.memory_space<hbm>> -> memref<64xi32, #tpu.memory_space<hbm>>
    tpu.enqueue_dma source(%dma_start3A_42 : memref<64xi32, #tpu.memory_space<hbm>>) target(%arg11 : memref<64xi32, #tpu.memory_space<vmem>>) target_semaphore(%arg24 : memref<!tpu.dma_semaphore, #tpu.memory_space<semaphore_mem>>)
    %dma_start3A_43 = arith.constant 192 : i32
    %dma_start3A_44 = tpu.memref_slice %arg7[%dma_start3A_43] : memref<15104xi32, #tpu.memory_space<vmem>> -> memref<64xi32, #tpu.memory_space<vmem>>
    %dma_start3A_45 = arith.constant 0 : i32
    %dma_start3A_46 = arith.constant 0 : i32
    %dma_start3A_47 = tpu.memref_slice %arg2[%dma_start3A_45, %dma_start3A_46] : memref<80000x128xf32, #tpu.memory_space<hbm>> -> memref<80000x128xf32, #tpu.memory_space<hbm>>
    tpu.enqueue_indirect_dma source(%dma_start3A_47 : memref<80000x128xf32, #tpu.memory_space<hbm>>) target(%arg15 : memref<64x128xf32, #tpu.memory_space<vmem>>) offsets(%dma_start3A_44 : memref<64xi32, #tpu.memory_space<vmem>>) semaphore(%arg20 : memref<!tpu.dma_semaphore, #tpu.memory_space<semaphore_mem>>)
    %jit3A = arith.constant 4 : i32
    %div3A = arith.divsi %add3A_12, %jit3A : i32
    %sign3A = arith.constant 0 : i32
    %sign3A_48 = arith.cmpi sgt, %add3A_12, %sign3A : i32
    %sign3A_49 = arith.extui %sign3A_48 : i1 to i32
    %sign3A_50 = arith.constant 0 : i32
    %sign3A_51 = arith.cmpi slt, %add3A_12, %sign3A_50 : i32
    %sign3A_52 = arith.extui %sign3A_51 : i1 to i32
    %sign3A_53 = arith.subi %sign3A_49, %sign3A_52 : i32
    %sign3A_54 = arith.constant 0 : i32
    %sign3A_55 = arith.cmpi sgt, %jit3A, %sign3A_54 : i32
    %sign3A_56 = arith.extui %sign3A_55 : i1 to i32
    %sign3A_57 = arith.constant 0 : i32
    %sign3A_58 = arith.cmpi slt, %jit3A, %sign3A_57 : i32
    %sign3A_59 = arith.extui %sign3A_58 : i1 to i32
    %sign3A_60 = arith.subi %sign3A_56, %sign3A_59 : i32
    %ne3A = arith.cmpi ne, %sign3A_53, %sign3A_60 : i32
    %rem3A = arith.remsi %add3A_12, %jit3A : i32
    %ne3A_61 = arith.constant 0 : i32
    %ne3A_62 = arith.cmpi ne, %rem3A, %ne3A_61 : i32
    %and3A = arith.andi %ne3A, %ne3A_62 : i1
    %sub3A = arith.constant 1 : i32
    %sub3A_63 = arith.subi %div3A, %sub3A : i32
    %select_n3A = arith.select %and3A, %sub3A_63, %div3A : i32
    %sub3A_64 = arith.constant 1 : i32
    %sub3A_65 = arith.subi %select_n3A, %sub3A_64 : i32
    %while3A = arith.constant 0 : i32
    %while3A_66 = arith.constant 0 : i32
    %while3A_67 = arith.subi %sub3A_65, %while3A_66 : i32
    %while3A_68 = arith.addi %while3A_66, %while3A_67 : i32
    %while3A_69 = arith.constant 1 : i32
    %while3A_70 = arith.divsi %while3A_67, %while3A_69 : i32
    %while3A_71 = arith.muli %while3A_70, %while3A_69 : i32
    %while3A_72 = arith.addi %while3A_66, %while3A_71 : i32
    %while3A_73 = arith.constant 1 : i32
    scf.for %while3A_121 = %while3A_66 to %while3A_72 step %while3A_73  : i32 {
      %mul3A_122 = arith.constant 4 : i32
      %mul3A_123 = arith.muli %mul3A_122, %while3A_121 : i32
      %add3A_124 = arith.constant 0 : i32
      %add3A_125 = arith.addi %mul3A_123, %add3A_124 : i32
      %dma_wait3A_126 = tpu.memref_slice %arg4[%mul3A_8] : memref<337408xi32, #tpu.memory_space<hbm>> -> memref<64xi32, #tpu.memory_space<hbm>>
      %dma_wait3A_127 = tpu.memref_slice %arg4[%mul3A_8] : memref<337408xi32, #tpu.memory_space<hbm>> -> memref<64xi32, #tpu.memory_space<hbm>>
      tpu.wait_dma2 semaphore(%arg21 : memref<!tpu.dma_semaphore, #tpu.memory_space<semaphore_mem>>) src(%dma_wait3A_127 : memref<64xi32, #tpu.memory_space<hbm>>) dst(%arg8 : memref<64xi32, #tpu.memory_space<vmem>>)
      %mul3A_128 = arith.constant 64 : i32
      %mul3A_129 = arith.muli %add3A_125, %mul3A_128 : i32
      %dma_wait3A_130 = tpu.memref_slice %arg7[%mul3A_129] : memref<15104xi32, #tpu.memory_space<vmem>> -> memref<64xi32, #tpu.memory_space<vmem>>
      %dma_wait3A_131 = arith.constant 0 : i32
      %dma_wait3A_132 = arith.constant 0 : i32
      %dma_wait3A_133 = tpu.memref_slice %arg2[%dma_wait3A_131, %dma_wait3A_132] : memref<80000x128xf32, #tpu.memory_space<hbm>> -> memref<80000x128xf32, #tpu.memory_space<hbm>>
      tpu.wait_indirect_dma semaphore(%arg17 : memref<!tpu.dma_semaphore, #tpu.memory_space<semaphore_mem>>) src(%dma_wait3A_133 : memref<80000x128xf32, #tpu.memory_space<hbm>>) dst(%arg12 : memref<64x128xf32, #tpu.memory_space<vmem>>)
      "tpu.region"() ({
        %run_scoped3A = tpu.sem_alloc : memref<!tpu.dma_semaphore, #tpu.memory_space<semaphore_mem>>
        %dma_start3A_224 = arith.constant 0 : i32
        %dma_start3A_225 = arith.constant 0 : i32
        %dma_start3A_226 = tpu.memref_slice %arg16[%dma_start3A_224, %dma_start3A_225] : memref<10048x128xf32, #tpu.memory_space<vmem_shared>> -> memref<10048x128xf32, #tpu.memory_space<vmem_shared>>
        tpu.enqueue_indirect_dma source(%arg12 : memref<64x128xf32, #tpu.memory_space<vmem>>) target(%dma_start3A_226 : memref<10048x128xf32, #tpu.memory_space<vmem_shared>>) offsets(%arg8 : memref<64xi32, #tpu.memory_space<vmem>>) semaphore(%run_scoped3A : memref<!tpu.dma_semaphore, #tpu.memory_space<semaphore_mem>>) {add = true}
        %dma_wait3A_227 = arith.constant 0 : i32
        %dma_wait3A_228 = arith.constant 0 : i32
        %dma_wait3A_229 = tpu.memref_slice %arg16[%dma_wait3A_227, %dma_wait3A_228] : memref<10048x128xf32, #tpu.memory_space<vmem_shared>> -> memref<10048x128xf32, #tpu.memory_space<vmem_shared>>
        tpu.wait_indirect_dma semaphore(%run_scoped3A : memref<!tpu.dma_semaphore, #tpu.memory_space<semaphore_mem>>) src(%arg12 : memref<64x128xf32, #tpu.memory_space<vmem>>) dst(%dma_wait3A_229 : memref<10048x128xf32, #tpu.memory_space<vmem_shared>>)
        tpu.yield
      }) : () -> ()
      %add3A_134 = arith.constant 4 : i32
      %add3A_135 = arith.addi %add3A_125, %add3A_134 : i32
      %mul3A_136 = arith.constant 64 : i32
      %mul3A_137 = arith.muli %add3A_135, %mul3A_136 : i32
      %dma_start3A_138 = tpu.memref_slice %arg7[%mul3A_137] : memref<15104xi32, #tpu.memory_space<vmem>> -> memref<64xi32, #tpu.memory_space<vmem>>
      %dma_start3A_139 = arith.constant 0 : i32
      %dma_start3A_140 = arith.constant 0 : i32
      %dma_start3A_141 = tpu.memref_slice %arg2[%dma_start3A_139, %dma_start3A_140] : memref<80000x128xf32, #tpu.memory_space<hbm>> -> memref<80000x128xf32, #tpu.memory_space<hbm>>
      tpu.enqueue_indirect_dma source(%dma_start3A_141 : memref<80000x128xf32, #tpu.memory_space<hbm>>) target(%arg12 : memref<64x128xf32, #tpu.memory_space<vmem>>) offsets(%dma_start3A_138 : memref<64xi32, #tpu.memory_space<vmem>>) semaphore(%arg17 : memref<!tpu.dma_semaphore, #tpu.memory_space<semaphore_mem>>)
      %add3A_142 = arith.constant 4 : i32
      %add3A_143 = arith.addi %add3A_125, %add3A_142 : i32
      %mul3A_144 = arith.constant 64 : i32
      %mul3A_145 = arith.muli %add3A_143, %mul3A_144 : i32
      %add3A_146 = arith.addi %mul3A_8, %mul3A_145 : i32
      %dma_start3A_147 = tpu.memref_slice %arg4[%add3A_146] : memref<337408xi32, #tpu.memory_space<hbm>> -> memref<64xi32, #tpu.memory_space<hbm>>
      %dma_start3A_148 = tpu.memref_slice %arg4[%add3A_146] : memref<337408xi32, #tpu.memory_space<hbm>> -> memref<64xi32, #tpu.memory_space<hbm>>
      tpu.enqueue_dma source(%dma_start3A_148 : memref<64xi32, #tpu.memory_space<hbm>>) target(%arg8 : memref<64xi32, #tpu.memory_space<vmem>>) target_semaphore(%arg21 : memref<!tpu.dma_semaphore, #tpu.memory_space<semaphore_mem>>)
      %add3A_149 = arith.constant 1 : i32
      %add3A_150 = arith.addi %mul3A_123, %add3A_149 : i32
      %dma_wait3A_151 = tpu.memref_slice %arg4[%mul3A_8] : memref<337408xi32, #tpu.memory_space<hbm>> -> memref<64xi32, #tpu.memory_space<hbm>>
      %dma_wait3A_152 = tpu.memref_slice %arg4[%mul3A_8] : memref<337408xi32, #tpu.memory_space<hbm>> -> memref<64xi32, #tpu.memory_space<hbm>>
      tpu.wait_dma2 semaphore(%arg22 : memref<!tpu.dma_semaphore, #tpu.memory_space<semaphore_mem>>) src(%dma_wait3A_152 : memref<64xi32, #tpu.memory_space<hbm>>) dst(%arg9 : memref<64xi32, #tpu.memory_space<vmem>>)
      %mul3A_153 = arith.constant 64 : i32
      %mul3A_154 = arith.muli %add3A_150, %mul3A_153 : i32
      %dma_wait3A_155 = tpu.memref_slice %arg7[%mul3A_154] : memref<15104xi32, #tpu.memory_space<vmem>> -> memref<64xi32, #tpu.memory_space<vmem>>
      %dma_wait3A_156 = arith.constant 0 : i32
      %dma_wait3A_157 = arith.constant 0 : i32
      %dma_wait3A_158 = tpu.memref_slice %arg2[%dma_wait3A_156, %dma_wait3A_157] : memref<80000x128xf32, #tpu.memory_space<hbm>> -> memref<80000x128xf32, #tpu.memory_space<hbm>>
      tpu.wait_indirect_dma semaphore(%arg18 : memref<!tpu.dma_semaphore, #tpu.memory_space<semaphore_mem>>) src(%dma_wait3A_158 : memref<80000x128xf32, #tpu.memory_space<hbm>>) dst(%arg13 : memref<64x128xf32, #tpu.memory_space<vmem>>)
      "tpu.region"() ({
        %run_scoped3A = tpu.sem_alloc : memref<!tpu.dma_semaphore, #tpu.memory_space<semaphore_mem>>
        %dma_start3A_224 = arith.constant 0 : i32
        %dma_start3A_225 = arith.constant 0 : i32
        %dma_start3A_226 = tpu.memref_slice %arg16[%dma_start3A_224, %dma_start3A_225] : memref<10048x128xf32, #tpu.memory_space<vmem_shared>> -> memref<10048x128xf32, #tpu.memory_space<vmem_shared>>
        tpu.enqueue_indirect_dma source(%arg13 : memref<64x128xf32, #tpu.memory_space<vmem>>) target(%dma_start3A_226 : memref<10048x128xf32, #tpu.memory_space<vmem_shared>>) offsets(%arg9 : memref<64xi32, #tpu.memory_space<vmem>>) semaphore(%run_scoped3A : memref<!tpu.dma_semaphore, #tpu.memory_space<semaphore_mem>>) {add = true}
        %dma_wait3A_227 = arith.constant 0 : i32
        %dma_wait3A_228 = arith.constant 0 : i32
        %dma_wait3A_229 = tpu.memref_slice %arg16[%dma_wait3A_227, %dma_wait3A_228] : memref<10048x128xf32, #tpu.memory_space<vmem_shared>> -> memref<10048x128xf32, #tpu.memory_space<vmem_shared>>
        tpu.wait_indirect_dma semaphore(%run_scoped3A : memref<!tpu.dma_semaphore, #tpu.memory_space<semaphore_mem>>) src(%arg13 : memref<64x128xf32, #tpu.memory_space<vmem>>) dst(%dma_wait3A_229 : memref<10048x128xf32, #tpu.memory_space<vmem_shared>>)
        tpu.yield
      }) : () -> ()
      %add3A_159 = arith.constant 4 : i32
      %add3A_160 = arith.addi %add3A_150, %add3A_159 : i32
      %mul3A_161 = arith.constant 64 : i32
      %mul3A_162 = arith.muli %add3A_160, %mul3A_161 : i32
      %dma_start3A_163 = tpu.memref_slice %arg7[%mul3A_162] : memref<15104xi32, #tpu.memory_space<vmem>> -> memref<64xi32, #tpu.memory_space<vmem>>
      %dma_start3A_164 = arith.constant 0 : i32
      %dma_start3A_165 = arith.constant 0 : i32
      %dma_start3A_166 = tpu.memref_slice %arg2[%dma_start3A_164, %dma_start3A_165] : memref<80000x128xf32, #tpu.memory_space<hbm>> -> memref<80000x128xf32, #tpu.memory_space<hbm>>
      tpu.enqueue_indirect_dma source(%dma_start3A_166 : memref<80000x128xf32, #tpu.memory_space<hbm>>) target(%arg13 : memref<64x128xf32, #tpu.memory_space<vmem>>) offsets(%dma_start3A_163 : memref<64xi32, #tpu.memory_space<vmem>>) semaphore(%arg18 : memref<!tpu.dma_semaphore, #tpu.memory_space<semaphore_mem>>)
      %add3A_167 = arith.constant 4 : i32
      %add3A_168 = arith.addi %add3A_150, %add3A_167 : i32
      %mul3A_169 = arith.constant 64 : i32
      %mul3A_170 = arith.muli %add3A_168, %mul3A_169 : i32
      %add3A_171 = arith.addi %mul3A_8, %mul3A_170 : i32
      %dma_start3A_172 = tpu.memref_slice %arg4[%add3A_171] : memref<337408xi32, #tpu.memory_space<hbm>> -> memref<64xi32, #tpu.memory_space<hbm>>
      %dma_start3A_173 = tpu.memref_slice %arg4[%add3A_171] : memref<337408xi32, #tpu.memory_space<hbm>> -> memref<64xi32, #tpu.memory_space<hbm>>
      tpu.enqueue_dma source(%dma_start3A_173 : memref<64xi32, #tpu.memory_space<hbm>>) target(%arg9 : memref<64xi32, #tpu.memory_space<vmem>>) target_semaphore(%arg22 : memref<!tpu.dma_semaphore, #tpu.memory_space<semaphore_mem>>)
      %add3A_174 = arith.constant 2 : i32
      %add3A_175 = arith.addi %mul3A_123, %add3A_174 : i32
      %dma_wait3A_176 = tpu.memref_slice %arg4[%mul3A_8] : memref<337408xi32, #tpu.memory_space<hbm>> -> memref<64xi32, #tpu.memory_space<hbm>>
      %dma_wait3A_177 = tpu.memref_slice %arg4[%mul3A_8] : memref<337408xi32, #tpu.memory_space<hbm>> -> memref<64xi32, #tpu.memory_space<hbm>>
      tpu.wait_dma2 semaphore(%arg23 : memref<!tpu.dma_semaphore, #tpu.memory_space<semaphore_mem>>) src(%dma_wait3A_177 : memref<64xi32, #tpu.memory_space<hbm>>) dst(%arg10 : memref<64xi32, #tpu.memory_space<vmem>>)
      %mul3A_178 = arith.constant 64 : i32
      %mul3A_179 = arith.muli %add3A_175, %mul3A_178 : i32
      %dma_wait3A_180 = tpu.memref_slice %arg7[%mul3A_179] : memref<15104xi32, #tpu.memory_space<vmem>> -> memref<64xi32, #tpu.memory_space<vmem>>
      %dma_wait3A_181 = arith.constant 0 : i32
      %dma_wait3A_182 = arith.constant 0 : i32
      %dma_wait3A_183 = tpu.memref_slice %arg2[%dma_wait3A_181, %dma_wait3A_182] : memref<80000x128xf32, #tpu.memory_space<hbm>> -> memref<80000x128xf32, #tpu.memory_space<hbm>>
      tpu.wait_indirect_dma semaphore(%arg19 : memref<!tpu.dma_semaphore, #tpu.memory_space<semaphore_mem>>) src(%dma_wait3A_183 : memref<80000x128xf32, #tpu.memory_space<hbm>>) dst(%arg14 : memref<64x128xf32, #tpu.memory_space<vmem>>)
      "tpu.region"() ({
        %run_scoped3A = tpu.sem_alloc : memref<!tpu.dma_semaphore, #tpu.memory_space<semaphore_mem>>
        %dma_start3A_224 = arith.constant 0 : i32
        %dma_start3A_225 = arith.constant 0 : i32
        %dma_start3A_226 = tpu.memref_slice %arg16[%dma_start3A_224, %dma_start3A_225] : memref<10048x128xf32, #tpu.memory_space<vmem_shared>> -> memref<10048x128xf32, #tpu.memory_space<vmem_shared>>
        tpu.enqueue_indirect_dma source(%arg14 : memref<64x128xf32, #tpu.memory_space<vmem>>) target(%dma_start3A_226 : memref<10048x128xf32, #tpu.memory_space<vmem_shared>>) offsets(%arg10 : memref<64xi32, #tpu.memory_space<vmem>>) semaphore(%run_scoped3A : memref<!tpu.dma_semaphore, #tpu.memory_space<semaphore_mem>>) {add = true}
        %dma_wait3A_227 = arith.constant 0 : i32
        %dma_wait3A_228 = arith.constant 0 : i32
        %dma_wait3A_229 = tpu.memref_slice %arg16[%dma_wait3A_227, %dma_wait3A_228] : memref<10048x128xf32, #tpu.memory_space<vmem_shared>> -> memref<10048x128xf32, #tpu.memory_space<vmem_shared>>
        tpu.wait_indirect_dma semaphore(%run_scoped3A : memref<!tpu.dma_semaphore, #tpu.memory_space<semaphore_mem>>) src(%arg14 : memref<64x128xf32, #tpu.memory_space<vmem>>) dst(%dma_wait3A_229 : memref<10048x128xf32, #tpu.memory_space<vmem_shared>>)
        tpu.yield
      }) : () -> ()
      %add3A_184 = arith.constant 4 : i32
      %add3A_185 = arith.addi %add3A_175, %add3A_184 : i32
      %mul3A_186 = arith.constant 64 : i32
      %mul3A_187 = arith.muli %add3A_185, %mul3A_186 : i32
      %dma_start3A_188 = tpu.memref_slice %arg7[%mul3A_187] : memref<15104xi32, #tpu.memory_space<vmem>> -> memref<64xi32, #tpu.memory_space<vmem>>
      %dma_start3A_189 = arith.constant 0 : i32
      %dma_start3A_190 = arith.constant 0 : i32
      %dma_start3A_191 = tpu.memref_slice %arg2[%dma_start3A_189, %dma_start3A_190] : memref<80000x128xf32, #tpu.memory_space<hbm>> -> memref<80000x128xf32, #tpu.memory_space<hbm>>
      tpu.enqueue_indirect_dma source(%dma_start3A_191 : memref<80000x128xf32, #tpu.memory_space<hbm>>) target(%arg14 : memref<64x128xf32, #tpu.memory_space<vmem>>) offsets(%dma_start3A_188 : memref<64xi32, #tpu.memory_space<vmem>>) semaphore(%arg19 : memref<!tpu.dma_semaphore, #tpu.memory_space<semaphore_mem>>)
      %add3A_192 = arith.constant 4 : i32
      %add3A_193 = arith.addi %add3A_175, %add3A_192 : i32
      %mul3A_194 = arith.constant 64 : i32
      %mul3A_195 = arith.muli %add3A_193, %mul3A_194 : i32
      %add3A_196 = arith.addi %mul3A_8, %mul3A_195 : i32
      %dma_start3A_197 = tpu.memref_slice %arg4[%add3A_196] : memref<337408xi32, #tpu.memory_space<hbm>> -> memref<64xi32, #tpu.memory_space<hbm>>
      %dma_start3A_198 = tpu.memref_slice %arg4[%add3A_196] : memref<337408xi32, #tpu.memory_space<hbm>> -> memref<64xi32, #tpu.memory_space<hbm>>
      tpu.enqueue_dma source(%dma_start3A_198 : memref<64xi32, #tpu.memory_space<hbm>>) target(%arg10 : memref<64xi32, #tpu.memory_space<vmem>>) target_semaphore(%arg23 : memref<!tpu.dma_semaphore, #tpu.memory_space<semaphore_mem>>)
      %add3A_199 = arith.constant 3 : i32
      %add3A_200 = arith.addi %mul3A_123, %add3A_199 : i32
      %dma_wait3A_201 = tpu.memref_slice %arg4[%mul3A_8] : memref<337408xi32, #tpu.memory_space<hbm>> -> memref<64xi32, #tpu.memory_space<hbm>>
      %dma_wait3A_202 = tpu.memref_slice %arg4[%mul3A_8] : memref<337408xi32, #tpu.memory_space<hbm>> -> memref<64xi32, #tpu.memory_space<hbm>>
      tpu.wait_dma2 semaphore(%arg24 : memref<!tpu.dma_semaphore, #tpu.memory_space<semaphore_mem>>) src(%dma_wait3A_202 : memref<64xi32, #tpu.memory_space<hbm>>) dst(%arg11 : memref<64xi32, #tpu.memory_space<vmem>>)
      %mul3A_203 = arith.constant 64 : i32
      %mul3A_204 = arith.muli %add3A_200, %mul3A_203 : i32
      %dma_wait3A_205 = tpu.memref_slice %arg7[%mul3A_204] : memref<15104xi32, #tpu.memory_space<vmem>> -> memref<64xi32, #tpu.memory_space<vmem>>
      %dma_wait3A_206 = arith.constant 0 : i32
      %dma_wait3A_207 = arith.constant 0 : i32
      %dma_wait3A_208 = tpu.memref_slice %arg2[%dma_wait3A_206, %dma_wait3A_207] : memref<80000x128xf32, #tpu.memory_space<hbm>> -> memref<80000x128xf32, #tpu.memory_space<hbm>>
      tpu.wait_indirect_dma semaphore(%arg20 : memref<!tpu.dma_semaphore, #tpu.memory_space<semaphore_mem>>) src(%dma_wait3A_208 : memref<80000x128xf32, #tpu.memory_space<hbm>>) dst(%arg15 : memref<64x128xf32, #tpu.memory_space<vmem>>)
      "tpu.region"() ({
        %run_scoped3A = tpu.sem_alloc : memref<!tpu.dma_semaphore, #tpu.memory_space<semaphore_mem>>
        %dma_start3A_224 = arith.constant 0 : i32
        %dma_start3A_225 = arith.constant 0 : i32
        %dma_start3A_226 = tpu.memref_slice %arg16[%dma_start3A_224, %dma_start3A_225] : memref<10048x128xf32, #tpu.memory_space<vmem_shared>> -> memref<10048x128xf32, #tpu.memory_space<vmem_shared>>
        tpu.enqueue_indirect_dma source(%arg15 : memref<64x128xf32, #tpu.memory_space<vmem>>) target(%dma_start3A_226 : memref<10048x128xf32, #tpu.memory_space<vmem_shared>>) offsets(%arg11 : memref<64xi32, #tpu.memory_space<vmem>>) semaphore(%run_scoped3A : memref<!tpu.dma_semaphore, #tpu.memory_space<semaphore_mem>>) {add = true}
        %dma_wait3A_227 = arith.constant 0 : i32
        %dma_wait3A_228 = arith.constant 0 : i32
        %dma_wait3A_229 = tpu.memref_slice %arg16[%dma_wait3A_227, %dma_wait3A_228] : memref<10048x128xf32, #tpu.memory_space<vmem_shared>> -> memref<10048x128xf32, #tpu.memory_space<vmem_shared>>
        tpu.wait_indirect_dma semaphore(%run_scoped3A : memref<!tpu.dma_semaphore, #tpu.memory_space<semaphore_mem>>) src(%arg15 : memref<64x128xf32, #tpu.memory_space<vmem>>) dst(%dma_wait3A_229 : memref<10048x128xf32, #tpu.memory_space<vmem_shared>>)
        tpu.yield
      }) : () -> ()
      %add3A_209 = arith.constant 4 : i32
      %add3A_210 = arith.addi %add3A_200, %add3A_209 : i32
      %mul3A_211 = arith.constant 64 : i32
      %mul3A_212 = arith.muli %add3A_210, %mul3A_211 : i32
      %dma_start3A_213 = tpu.memref_slice %arg7[%mul3A_212] : memref<15104xi32, #tpu.memory_space<vmem>> -> memref<64xi32, #tpu.memory_space<vmem>>
      %dma_start3A_214 = arith.constant 0 : i32
      %dma_start3A_215 = arith.constant 0 : i32
      %dma_start3A_216 = tpu.memref_slice %arg2[%dma_start3A_214, %dma_start3A_215] : memref<80000x128xf32, #tpu.memory_space<hbm>> -> memref<80000x128xf32, #tpu.memory_space<hbm>>
      tpu.enqueue_indirect_dma source(%dma_start3A_216 : memref<80000x128xf32, #tpu.memory_space<hbm>>) target(%arg15 : memref<64x128xf32, #tpu.memory_space<vmem>>) offsets(%dma_start3A_213 : memref<64xi32, #tpu.memory_space<vmem>>) semaphore(%arg20 : memref<!tpu.dma_semaphore, #tpu.memory_space<semaphore_mem>>)
      %add3A_217 = arith.constant 4 : i32
      %add3A_218 = arith.addi %add3A_200, %add3A_217 : i32
      %mul3A_219 = arith.constant 64 : i32
      %mul3A_220 = arith.muli %add3A_218, %mul3A_219 : i32
      %add3A_221 = arith.addi %mul3A_8, %mul3A_220 : i32
      %dma_start3A_222 = tpu.memref_slice %arg4[%add3A_221] : memref<337408xi32, #tpu.memory_space<hbm>> -> memref<64xi32, #tpu.memory_space<hbm>>
      %dma_start3A_223 = tpu.memref_slice %arg4[%add3A_221] : memref<337408xi32, #tpu.memory_space<hbm>> -> memref<64xi32, #tpu.memory_space<hbm>>
      tpu.enqueue_dma source(%dma_start3A_223 : memref<64xi32, #tpu.memory_space<hbm>>) target(%arg11 : memref<64xi32, #tpu.memory_space<vmem>>) target_semaphore(%arg24 : memref<!tpu.dma_semaphore, #tpu.memory_space<semaphore_mem>>)
    }
    %while3A_74 = arith.constant 1 : i32
    scf.for %while3A_121 = %while3A_72 to %while3A_68 step %while3A_74  : i32 {
      %mul3A_122 = arith.constant 4 : i32
      %mul3A_123 = arith.muli %mul3A_122, %while3A_121 : i32
      %add3A_124 = arith.constant 0 : i32
      %add3A_125 = arith.addi %mul3A_123, %add3A_124 : i32
      %dma_wait3A_126 = tpu.memref_slice %arg4[%mul3A_8] : memref<337408xi32, #tpu.memory_space<hbm>> -> memref<64xi32, #tpu.memory_space<hbm>>
      %dma_wait3A_127 = tpu.memref_slice %arg4[%mul3A_8] : memref<337408xi32, #tpu.memory_space<hbm>> -> memref<64xi32, #tpu.memory_space<hbm>>
      tpu.wait_dma2 semaphore(%arg21 : memref<!tpu.dma_semaphore, #tpu.memory_space<semaphore_mem>>) src(%dma_wait3A_127 : memref<64xi32, #tpu.memory_space<hbm>>) dst(%arg8 : memref<64xi32, #tpu.memory_space<vmem>>)
      %mul3A_128 = arith.constant 64 : i32
      %mul3A_129 = arith.muli %add3A_125, %mul3A_128 : i32
      %dma_wait3A_130 = tpu.memref_slice %arg7[%mul3A_129] : memref<15104xi32, #tpu.memory_space<vmem>> -> memref<64xi32, #tpu.memory_space<vmem>>
      %dma_wait3A_131 = arith.constant 0 : i32
      %dma_wait3A_132 = arith.constant 0 : i32
      %dma_wait3A_133 = tpu.memref_slice %arg2[%dma_wait3A_131, %dma_wait3A_132] : memref<80000x128xf32, #tpu.memory_space<hbm>> -> memref<80000x128xf32, #tpu.memory_space<hbm>>
      tpu.wait_indirect_dma semaphore(%arg17 : memref<!tpu.dma_semaphore, #tpu.memory_space<semaphore_mem>>) src(%dma_wait3A_133 : memref<80000x128xf32, #tpu.memory_space<hbm>>) dst(%arg12 : memref<64x128xf32, #tpu.memory_space<vmem>>)
      "tpu.region"() ({
        %run_scoped3A = tpu.sem_alloc : memref<!tpu.dma_semaphore, #tpu.memory_space<semaphore_mem>>
        %dma_start3A_224 = arith.constant 0 : i32
        %dma_start3A_225 = arith.constant 0 : i32
        %dma_start3A_226 = tpu.memref_slice %arg16[%dma_start3A_224, %dma_start3A_225] : memref<10048x128xf32, #tpu.memory_space<vmem_shared>> -> memref<10048x128xf32, #tpu.memory_space<vmem_shared>>
        tpu.enqueue_indirect_dma source(%arg12 : memref<64x128xf32, #tpu.memory_space<vmem>>) target(%dma_start3A_226 : memref<10048x128xf32, #tpu.memory_space<vmem_shared>>) offsets(%arg8 : memref<64xi32, #tpu.memory_space<vmem>>) semaphore(%run_scoped3A : memref<!tpu.dma_semaphore, #tpu.memory_space<semaphore_mem>>) {add = true}
        %dma_wait3A_227 = arith.constant 0 : i32
        %dma_wait3A_228 = arith.constant 0 : i32
        %dma_wait3A_229 = tpu.memref_slice %arg16[%dma_wait3A_227, %dma_wait3A_228] : memref<10048x128xf32, #tpu.memory_space<vmem_shared>> -> memref<10048x128xf32, #tpu.memory_space<vmem_shared>>
        tpu.wait_indirect_dma semaphore(%run_scoped3A : memref<!tpu.dma_semaphore, #tpu.memory_space<semaphore_mem>>) src(%arg12 : memref<64x128xf32, #tpu.memory_space<vmem>>) dst(%dma_wait3A_229 : memref<10048x128xf32, #tpu.memory_space<vmem_shared>>)
        tpu.yield
      }) : () -> ()
      %add3A_134 = arith.constant 4 : i32
      %add3A_135 = arith.addi %add3A_125, %add3A_134 : i32
      %mul3A_136 = arith.constant 64 : i32
      %mul3A_137 = arith.muli %add3A_135, %mul3A_136 : i32
      %dma_start3A_138 = tpu.memref_slice %arg7[%mul3A_137] : memref<15104xi32, #tpu.memory_space<vmem>> -> memref<64xi32, #tpu.memory_space<vmem>>
      %dma_start3A_139 = arith.constant 0 : i32
      %dma_start3A_140 = arith.constant 0 : i32
      %dma_start3A_141 = tpu.memref_slice %arg2[%dma_start3A_139, %dma_start3A_140] : memref<80000x128xf32, #tpu.memory_space<hbm>> -> memref<80000x128xf32, #tpu.memory_space<hbm>>
      tpu.enqueue_indirect_dma source(%dma_start3A_141 : memref<80000x128xf32, #tpu.memory_space<hbm>>) target(%arg12 : memref<64x128xf32, #tpu.memory_space<vmem>>) offsets(%dma_start3A_138 : memref<64xi32, #tpu.memory_space<vmem>>) semaphore(%arg17 : memref<!tpu.dma_semaphore, #tpu.memory_space<semaphore_mem>>)
      %add3A_142 = arith.constant 4 : i32
      %add3A_143 = arith.addi %add3A_125, %add3A_142 : i32
      %mul3A_144 = arith.constant 64 : i32
      %mul3A_145 = arith.muli %add3A_143, %mul3A_144 : i32
      %add3A_146 = arith.addi %mul3A_8, %mul3A_145 : i32
      %dma_start3A_147 = tpu.memref_slice %arg4[%add3A_146] : memref<337408xi32, #tpu.memory_space<hbm>> -> memref<64xi32, #tpu.memory_space<hbm>>
      %dma_start3A_148 = tpu.memref_slice %arg4[%add3A_146] : memref<337408xi32, #tpu.memory_space<hbm>> -> memref<64xi32, #tpu.memory_space<hbm>>
      tpu.enqueue_dma source(%dma_start3A_148 : memref<64xi32, #tpu.memory_space<hbm>>) target(%arg8 : memref<64xi32, #tpu.memory_space<vmem>>) target_semaphore(%arg21 : memref<!tpu.dma_semaphore, #tpu.memory_space<semaphore_mem>>)
      %add3A_149 = arith.constant 1 : i32
      %add3A_150 = arith.addi %mul3A_123, %add3A_149 : i32
      %dma_wait3A_151 = tpu.memref_slice %arg4[%mul3A_8] : memref<337408xi32, #tpu.memory_space<hbm>> -> memref<64xi32, #tpu.memory_space<hbm>>
      %dma_wait3A_152 = tpu.memref_slice %arg4[%mul3A_8] : memref<337408xi32, #tpu.memory_space<hbm>> -> memref<64xi32, #tpu.memory_space<hbm>>
      tpu.wait_dma2 semaphore(%arg22 : memref<!tpu.dma_semaphore, #tpu.memory_space<semaphore_mem>>) src(%dma_wait3A_152 : memref<64xi32, #tpu.memory_space<hbm>>) dst(%arg9 : memref<64xi32, #tpu.memory_space<vmem>>)
      %mul3A_153 = arith.constant 64 : i32
      %mul3A_154 = arith.muli %add3A_150, %mul3A_153 : i32
      %dma_wait3A_155 = tpu.memref_slice %arg7[%mul3A_154] : memref<15104xi32, #tpu.memory_space<vmem>> -> memref<64xi32, #tpu.memory_space<vmem>>
      %dma_wait3A_156 = arith.constant 0 : i32
      %dma_wait3A_157 = arith.constant 0 : i32
      %dma_wait3A_158 = tpu.memref_slice %arg2[%dma_wait3A_156, %dma_wait3A_157] : memref<80000x128xf32, #tpu.memory_space<hbm>> -> memref<80000x128xf32, #tpu.memory_space<hbm>>
      tpu.wait_indirect_dma semaphore(%arg18 : memref<!tpu.dma_semaphore, #tpu.memory_space<semaphore_mem>>) src(%dma_wait3A_158 : memref<80000x128xf32, #tpu.memory_space<hbm>>) dst(%arg13 : memref<64x128xf32, #tpu.memory_space<vmem>>)
      "tpu.region"() ({
        %run_scoped3A = tpu.sem_alloc : memref<!tpu.dma_semaphore, #tpu.memory_space<semaphore_mem>>
        %dma_start3A_224 = arith.constant 0 : i32
        %dma_start3A_225 = arith.constant 0 : i32
        %dma_start3A_226 = tpu.memref_slice %arg16[%dma_start3A_224, %dma_start3A_225] : memref<10048x128xf32, #tpu.memory_space<vmem_shared>> -> memref<10048x128xf32, #tpu.memory_space<vmem_shared>>
        tpu.enqueue_indirect_dma source(%arg13 : memref<64x128xf32, #tpu.memory_space<vmem>>) target(%dma_start3A_226 : memref<10048x128xf32, #tpu.memory_space<vmem_shared>>) offsets(%arg9 : memref<64xi32, #tpu.memory_space<vmem>>) semaphore(%run_scoped3A : memref<!tpu.dma_semaphore, #tpu.memory_space<semaphore_mem>>) {add = true}
        %dma_wait3A_227 = arith.constant 0 : i32
        %dma_wait3A_228 = arith.constant 0 : i32
        %dma_wait3A_229 = tpu.memref_slice %arg16[%dma_wait3A_227, %dma_wait3A_228] : memref<10048x128xf32, #tpu.memory_space<vmem_shared>> -> memref<10048x128xf32, #tpu.memory_space<vmem_shared>>
        tpu.wait_indirect_dma semaphore(%run_scoped3A : memref<!tpu.dma_semaphore, #tpu.memory_space<semaphore_mem>>) src(%arg13 : memref<64x128xf32, #tpu.memory_space<vmem>>) dst(%dma_wait3A_229 : memref<10048x128xf32, #tpu.memory_space<vmem_shared>>)
        tpu.yield
      }) : () -> ()
      %add3A_159 = arith.constant 4 : i32
      %add3A_160 = arith.addi %add3A_150, %add3A_159 : i32
      %mul3A_161 = arith.constant 64 : i32
      %mul3A_162 = arith.muli %add3A_160, %mul3A_161 : i32
      %dma_start3A_163 = tpu.memref_slice %arg7[%mul3A_162] : memref<15104xi32, #tpu.memory_space<vmem>> -> memref<64xi32, #tpu.memory_space<vmem>>
      %dma_start3A_164 = arith.constant 0 : i32
      %dma_start3A_165 = arith.constant 0 : i32
      %dma_start3A_166 = tpu.memref_slice %arg2[%dma_start3A_164, %dma_start3A_165] : memref<80000x128xf32, #tpu.memory_space<hbm>> -> memref<80000x128xf32, #tpu.memory_space<hbm>>
      tpu.enqueue_indirect_dma source(%dma_start3A_166 : memref<80000x128xf32, #tpu.memory_space<hbm>>) target(%arg13 : memref<64x128xf32, #tpu.memory_space<vmem>>) offsets(%dma_start3A_163 : memref<64xi32, #tpu.memory_space<vmem>>) semaphore(%arg18 : memref<!tpu.dma_semaphore, #tpu.memory_space<semaphore_mem>>)
      %add3A_167 = arith.constant 4 : i32
      %add3A_168 = arith.addi %add3A_150, %add3A_167 : i32
      %mul3A_169 = arith.constant 64 : i32
      %mul3A_170 = arith.muli %add3A_168, %mul3A_169 : i32
      %add3A_171 = arith.addi %mul3A_8, %mul3A_170 : i32
      %dma_start3A_172 = tpu.memref_slice %arg4[%add3A_171] : memref<337408xi32, #tpu.memory_space<hbm>> -> memref<64xi32, #tpu.memory_space<hbm>>
      %dma_start3A_173 = tpu.memref_slice %arg4[%add3A_171] : memref<337408xi32, #tpu.memory_space<hbm>> -> memref<64xi32, #tpu.memory_space<hbm>>
      tpu.enqueue_dma source(%dma_start3A_173 : memref<64xi32, #tpu.memory_space<hbm>>) target(%arg9 : memref<64xi32, #tpu.memory_space<vmem>>) target_semaphore(%arg22 : memref<!tpu.dma_semaphore, #tpu.memory_space<semaphore_mem>>)
      %add3A_174 = arith.constant 2 : i32
      %add3A_175 = arith.addi %mul3A_123, %add3A_174 : i32
      %dma_wait3A_176 = tpu.memref_slice %arg4[%mul3A_8] : memref<337408xi32, #tpu.memory_space<hbm>> -> memref<64xi32, #tpu.memory_space<hbm>>
      %dma_wait3A_177 = tpu.memref_slice %arg4[%mul3A_8] : memref<337408xi32, #tpu.memory_space<hbm>> -> memref<64xi32, #tpu.memory_space<hbm>>
      tpu.wait_dma2 semaphore(%arg23 : memref<!tpu.dma_semaphore, #tpu.memory_space<semaphore_mem>>) src(%dma_wait3A_177 : memref<64xi32, #tpu.memory_space<hbm>>) dst(%arg10 : memref<64xi32, #tpu.memory_space<vmem>>)
      %mul3A_178 = arith.constant 64 : i32
      %mul3A_179 = arith.muli %add3A_175, %mul3A_178 : i32
      %dma_wait3A_180 = tpu.memref_slice %arg7[%mul3A_179] : memref<15104xi32, #tpu.memory_space<vmem>> -> memref<64xi32, #tpu.memory_space<vmem>>
      %dma_wait3A_181 = arith.constant 0 : i32
      %dma_wait3A_182 = arith.constant 0 : i32
      %dma_wait3A_183 = tpu.memref_slice %arg2[%dma_wait3A_181, %dma_wait3A_182] : memref<80000x128xf32, #tpu.memory_space<hbm>> -> memref<80000x128xf32, #tpu.memory_space<hbm>>
      tpu.wait_indirect_dma semaphore(%arg19 : memref<!tpu.dma_semaphore, #tpu.memory_space<semaphore_mem>>) src(%dma_wait3A_183 : memref<80000x128xf32, #tpu.memory_space<hbm>>) dst(%arg14 : memref<64x128xf32, #tpu.memory_space<vmem>>)
      "tpu.region"() ({
        %run_scoped3A = tpu.sem_alloc : memref<!tpu.dma_semaphore, #tpu.memory_space<semaphore_mem>>
        %dma_start3A_224 = arith.constant 0 : i32
        %dma_start3A_225 = arith.constant 0 : i32
        %dma_start3A_226 = tpu.memref_slice %arg16[%dma_start3A_224, %dma_start3A_225] : memref<10048x128xf32, #tpu.memory_space<vmem_shared>> -> memref<10048x128xf32, #tpu.memory_space<vmem_shared>>
        tpu.enqueue_indirect_dma source(%arg14 : memref<64x128xf32, #tpu.memory_space<vmem>>) target(%dma_start3A_226 : memref<10048x128xf32, #tpu.memory_space<vmem_shared>>) offsets(%arg10 : memref<64xi32, #tpu.memory_space<vmem>>) semaphore(%run_scoped3A : memref<!tpu.dma_semaphore, #tpu.memory_space<semaphore_mem>>) {add = true}
        %dma_wait3A_227 = arith.constant 0 : i32
        %dma_wait3A_228 = arith.constant 0 : i32
        %dma_wait3A_229 = tpu.memref_slice %arg16[%dma_wait3A_227, %dma_wait3A_228] : memref<10048x128xf32, #tpu.memory_space<vmem_shared>> -> memref<10048x128xf32, #tpu.memory_space<vmem_shared>>
        tpu.wait_indirect_dma semaphore(%run_scoped3A : memref<!tpu.dma_semaphore, #tpu.memory_space<semaphore_mem>>) src(%arg14 : memref<64x128xf32, #tpu.memory_space<vmem>>) dst(%dma_wait3A_229 : memref<10048x128xf32, #tpu.memory_space<vmem_shared>>)
        tpu.yield
      }) : () -> ()
      %add3A_184 = arith.constant 4 : i32
      %add3A_185 = arith.addi %add3A_175, %add3A_184 : i32
      %mul3A_186 = arith.constant 64 : i32
      %mul3A_187 = arith.muli %add3A_185, %mul3A_186 : i32
      %dma_start3A_188 = tpu.memref_slice %arg7[%mul3A_187] : memref<15104xi32, #tpu.memory_space<vmem>> -> memref<64xi32, #tpu.memory_space<vmem>>
      %dma_start3A_189 = arith.constant 0 : i32
      %dma_start3A_190 = arith.constant 0 : i32
      %dma_start3A_191 = tpu.memref_slice %arg2[%dma_start3A_189, %dma_start3A_190] : memref<80000x128xf32, #tpu.memory_space<hbm>> -> memref<80000x128xf32, #tpu.memory_space<hbm>>
      tpu.enqueue_indirect_dma source(%dma_start3A_191 : memref<80000x128xf32, #tpu.memory_space<hbm>>) target(%arg14 : memref<64x128xf32, #tpu.memory_space<vmem>>) offsets(%dma_start3A_188 : memref<64xi32, #tpu.memory_space<vmem>>) semaphore(%arg19 : memref<!tpu.dma_semaphore, #tpu.memory_space<semaphore_mem>>)
      %add3A_192 = arith.constant 4 : i32
      %add3A_193 = arith.addi %add3A_175, %add3A_192 : i32
      %mul3A_194 = arith.constant 64 : i32
      %mul3A_195 = arith.muli %add3A_193, %mul3A_194 : i32
      %add3A_196 = arith.addi %mul3A_8, %mul3A_195 : i32
      %dma_start3A_197 = tpu.memref_slice %arg4[%add3A_196] : memref<337408xi32, #tpu.memory_space<hbm>> -> memref<64xi32, #tpu.memory_space<hbm>>
      %dma_start3A_198 = tpu.memref_slice %arg4[%add3A_196] : memref<337408xi32, #tpu.memory_space<hbm>> -> memref<64xi32, #tpu.memory_space<hbm>>
      tpu.enqueue_dma source(%dma_start3A_198 : memref<64xi32, #tpu.memory_space<hbm>>) target(%arg10 : memref<64xi32, #tpu.memory_space<vmem>>) target_semaphore(%arg23 : memref<!tpu.dma_semaphore, #tpu.memory_space<semaphore_mem>>)
      %add3A_199 = arith.constant 3 : i32
      %add3A_200 = arith.addi %mul3A_123, %add3A_199 : i32
      %dma_wait3A_201 = tpu.memref_slice %arg4[%mul3A_8] : memref<337408xi32, #tpu.memory_space<hbm>> -> memref<64xi32, #tpu.memory_space<hbm>>
      %dma_wait3A_202 = tpu.memref_slice %arg4[%mul3A_8] : memref<337408xi32, #tpu.memory_space<hbm>> -> memref<64xi32, #tpu.memory_space<hbm>>
      tpu.wait_dma2 semaphore(%arg24 : memref<!tpu.dma_semaphore, #tpu.memory_space<semaphore_mem>>) src(%dma_wait3A_202 : memref<64xi32, #tpu.memory_space<hbm>>) dst(%arg11 : memref<64xi32, #tpu.memory_space<vmem>>)
      %mul3A_203 = arith.constant 64 : i32
      %mul3A_204 = arith.muli %add3A_200, %mul3A_203 : i32
      %dma_wait3A_205 = tpu.memref_slice %arg7[%mul3A_204] : memref<15104xi32, #tpu.memory_space<vmem>> -> memref<64xi32, #tpu.memory_space<vmem>>
      %dma_wait3A_206 = arith.constant 0 : i32
      %dma_wait3A_207 = arith.constant 0 : i32
      %dma_wait3A_208 = tpu.memref_slice %arg2[%dma_wait3A_206, %dma_wait3A_207] : memref<80000x128xf32, #tpu.memory_space<hbm>> -> memref<80000x128xf32, #tpu.memory_space<hbm>>
      tpu.wait_indirect_dma semaphore(%arg20 : memref<!tpu.dma_semaphore, #tpu.memory_space<semaphore_mem>>) src(%dma_wait3A_208 : memref<80000x128xf32, #tpu.memory_space<hbm>>) dst(%arg15 : memref<64x128xf32, #tpu.memory_space<vmem>>)
      "tpu.region"() ({
        %run_scoped3A = tpu.sem_alloc : memref<!tpu.dma_semaphore, #tpu.memory_space<semaphore_mem>>
        %dma_start3A_224 = arith.constant 0 : i32
        %dma_start3A_225 = arith.constant 0 : i32
        %dma_start3A_226 = tpu.memref_slice %arg16[%dma_start3A_224, %dma_start3A_225] : memref<10048x128xf32, #tpu.memory_space<vmem_shared>> -> memref<10048x128xf32, #tpu.memory_space<vmem_shared>>
        tpu.enqueue_indirect_dma source(%arg15 : memref<64x128xf32, #tpu.memory_space<vmem>>) target(%dma_start3A_226 : memref<10048x128xf32, #tpu.memory_space<vmem_shared>>) offsets(%arg11 : memref<64xi32, #tpu.memory_space<vmem>>) semaphore(%run_scoped3A : memref<!tpu.dma_semaphore, #tpu.memory_space<semaphore_mem>>) {add = true}
        %dma_wait3A_227 = arith.constant 0 : i32
        %dma_wait3A_228 = arith.constant 0 : i32
        %dma_wait3A_229 = tpu.memref_slice %arg16[%dma_wait3A_227, %dma_wait3A_228] : memref<10048x128xf32, #tpu.memory_space<vmem_shared>> -> memref<10048x128xf32, #tpu.memory_space<vmem_shared>>
        tpu.wait_indirect_dma semaphore(%run_scoped3A : memref<!tpu.dma_semaphore, #tpu.memory_space<semaphore_mem>>) src(%arg15 : memref<64x128xf32, #tpu.memory_space<vmem>>) dst(%dma_wait3A_229 : memref<10048x128xf32, #tpu.memory_space<vmem_shared>>)
        tpu.yield
      }) : () -> ()
      %add3A_209 = arith.constant 4 : i32
      %add3A_210 = arith.addi %add3A_200, %add3A_209 : i32
      %mul3A_211 = arith.constant 64 : i32
      %mul3A_212 = arith.muli %add3A_210, %mul3A_211 : i32
      %dma_start3A_213 = tpu.memref_slice %arg7[%mul3A_212] : memref<15104xi32, #tpu.memory_space<vmem>> -> memref<64xi32, #tpu.memory_space<vmem>>
      %dma_start3A_214 = arith.constant 0 : i32
      %dma_start3A_215 = arith.constant 0 : i32
      %dma_start3A_216 = tpu.memref_slice %arg2[%dma_start3A_214, %dma_start3A_215] : memref<80000x128xf32, #tpu.memory_space<hbm>> -> memref<80000x128xf32, #tpu.memory_space<hbm>>
      tpu.enqueue_indirect_dma source(%dma_start3A_216 : memref<80000x128xf32, #tpu.memory_space<hbm>>) target(%arg15 : memref<64x128xf32, #tpu.memory_space<vmem>>) offsets(%dma_start3A_213 : memref<64xi32, #tpu.memory_space<vmem>>) semaphore(%arg20 : memref<!tpu.dma_semaphore, #tpu.memory_space<semaphore_mem>>)
      %add3A_217 = arith.constant 4 : i32
      %add3A_218 = arith.addi %add3A_200, %add3A_217 : i32
      %mul3A_219 = arith.constant 64 : i32
      %mul3A_220 = arith.muli %add3A_218, %mul3A_219 : i32
      %add3A_221 = arith.addi %mul3A_8, %mul3A_220 : i32
      %dma_start3A_222 = tpu.memref_slice %arg4[%add3A_221] : memref<337408xi32, #tpu.memory_space<hbm>> -> memref<64xi32, #tpu.memory_space<hbm>>
      %dma_start3A_223 = tpu.memref_slice %arg4[%add3A_221] : memref<337408xi32, #tpu.memory_space<hbm>> -> memref<64xi32, #tpu.memory_space<hbm>>
      tpu.enqueue_dma source(%dma_start3A_223 : memref<64xi32, #tpu.memory_space<hbm>>) target(%arg11 : memref<64xi32, #tpu.memory_space<vmem>>) target_semaphore(%arg24 : memref<!tpu.dma_semaphore, #tpu.memory_space<semaphore_mem>>)
    }
    %sub3A_75 = arith.constant 4 : i32
    %sub3A_76 = arith.subi %add3A_12, %sub3A_75 : i32
    %add3A_77 = arith.constant 0 : i32
    %add3A_78 = arith.addi %sub3A_76, %add3A_77 : i32
    %dma_wait3A = tpu.memref_slice %arg4[%mul3A_8] : memref<337408xi32, #tpu.memory_space<hbm>> -> memref<64xi32, #tpu.memory_space<hbm>>
    %dma_wait3A_79 = tpu.memref_slice %arg4[%mul3A_8] : memref<337408xi32, #tpu.memory_space<hbm>> -> memref<64xi32, #tpu.memory_space<hbm>>
    tpu.wait_dma2 semaphore(%arg21 : memref<!tpu.dma_semaphore, #tpu.memory_space<semaphore_mem>>) src(%dma_wait3A_79 : memref<64xi32, #tpu.memory_space<hbm>>) dst(%arg8 : memref<64xi32, #tpu.memory_space<vmem>>)
    %mul3A_80 = arith.constant 64 : i32
    %mul3A_81 = arith.muli %add3A_78, %mul3A_80 : i32
    %dma_wait3A_82 = tpu.memref_slice %arg7[%mul3A_81] : memref<15104xi32, #tpu.memory_space<vmem>> -> memref<64xi32, #tpu.memory_space<vmem>>
    %dma_wait3A_83 = arith.constant 0 : i32
    %dma_wait3A_84 = arith.constant 0 : i32
    %dma_wait3A_85 = tpu.memref_slice %arg2[%dma_wait3A_83, %dma_wait3A_84] : memref<80000x128xf32, #tpu.memory_space<hbm>> -> memref<80000x128xf32, #tpu.memory_space<hbm>>
    tpu.wait_indirect_dma semaphore(%arg17 : memref<!tpu.dma_semaphore, #tpu.memory_space<semaphore_mem>>) src(%dma_wait3A_85 : memref<80000x128xf32, #tpu.memory_space<hbm>>) dst(%arg12 : memref<64x128xf32, #tpu.memory_space<vmem>>)
    "tpu.region"() ({
      %run_scoped3A = tpu.sem_alloc : memref<!tpu.dma_semaphore, #tpu.memory_space<semaphore_mem>>
      %dma_start3A_121 = arith.constant 0 : i32
      %dma_start3A_122 = arith.constant 0 : i32
      %dma_start3A_123 = tpu.memref_slice %arg16[%dma_start3A_121, %dma_start3A_122] : memref<10048x128xf32, #tpu.memory_space<vmem_shared>> -> memref<10048x128xf32, #tpu.memory_space<vmem_shared>>
      tpu.enqueue_indirect_dma source(%arg12 : memref<64x128xf32, #tpu.memory_space<vmem>>) target(%dma_start3A_123 : memref<10048x128xf32, #tpu.memory_space<vmem_shared>>) offsets(%arg8 : memref<64xi32, #tpu.memory_space<vmem>>) semaphore(%run_scoped3A : memref<!tpu.dma_semaphore, #tpu.memory_space<semaphore_mem>>) {add = true}
      %dma_wait3A_124 = arith.constant 0 : i32
      %dma_wait3A_125 = arith.constant 0 : i32
      %dma_wait3A_126 = tpu.memref_slice %arg16[%dma_wait3A_124, %dma_wait3A_125] : memref<10048x128xf32, #tpu.memory_space<vmem_shared>> -> memref<10048x128xf32, #tpu.memory_space<vmem_shared>>
      tpu.wait_indirect_dma semaphore(%run_scoped3A : memref<!tpu.dma_semaphore, #tpu.memory_space<semaphore_mem>>) src(%arg12 : memref<64x128xf32, #tpu.memory_space<vmem>>) dst(%dma_wait3A_126 : memref<10048x128xf32, #tpu.memory_space<vmem_shared>>)
      tpu.yield
    }) : () -> ()
    %add3A_86 = arith.constant 1 : i32
    %add3A_87 = arith.addi %sub3A_76, %add3A_86 : i32
    %dma_wait3A_88 = tpu.memref_slice %arg4[%mul3A_8] : memref<337408xi32, #tpu.memory_space<hbm>> -> memref<64xi32, #tpu.memory_space<hbm>>
    %dma_wait3A_89 = tpu.memref_slice %arg4[%mul3A_8] : memref<337408xi32, #tpu.memory_space<hbm>> -> memref<64xi32, #tpu.memory_space<hbm>>
    tpu.wait_dma2 semaphore(%arg22 : memref<!tpu.dma_semaphore, #tpu.memory_space<semaphore_mem>>) src(%dma_wait3A_89 : memref<64xi32, #tpu.memory_space<hbm>>) dst(%arg9 : memref<64xi32, #tpu.memory_space<vmem>>)
    %mul3A_90 = arith.constant 64 : i32
    %mul3A_91 = arith.muli %add3A_87, %mul3A_90 : i32
    %dma_wait3A_92 = tpu.memref_slice %arg7[%mul3A_91] : memref<15104xi32, #tpu.memory_space<vmem>> -> memref<64xi32, #tpu.memory_space<vmem>>
    %dma_wait3A_93 = arith.constant 0 : i32
    %dma_wait3A_94 = arith.constant 0 : i32
    %dma_wait3A_95 = tpu.memref_slice %arg2[%dma_wait3A_93, %dma_wait3A_94] : memref<80000x128xf32, #tpu.memory_space<hbm>> -> memref<80000x128xf32, #tpu.memory_space<hbm>>
    tpu.wait_indirect_dma semaphore(%arg18 : memref<!tpu.dma_semaphore, #tpu.memory_space<semaphore_mem>>) src(%dma_wait3A_95 : memref<80000x128xf32, #tpu.memory_space<hbm>>) dst(%arg13 : memref<64x128xf32, #tpu.memory_space<vmem>>)
    "tpu.region"() ({
      %run_scoped3A = tpu.sem_alloc : memref<!tpu.dma_semaphore, #tpu.memory_space<semaphore_mem>>
      %dma_start3A_121 = arith.constant 0 : i32
      %dma_start3A_122 = arith.constant 0 : i32
      %dma_start3A_123 = tpu.memref_slice %arg16[%dma_start3A_121, %dma_start3A_122] : memref<10048x128xf32, #tpu.memory_space<vmem_shared>> -> memref<10048x128xf32, #tpu.memory_space<vmem_shared>>
      tpu.enqueue_indirect_dma source(%arg13 : memref<64x128xf32, #tpu.memory_space<vmem>>) target(%dma_start3A_123 : memref<10048x128xf32, #tpu.memory_space<vmem_shared>>) offsets(%arg9 : memref<64xi32, #tpu.memory_space<vmem>>) semaphore(%run_scoped3A : memref<!tpu.dma_semaphore, #tpu.memory_space<semaphore_mem>>) {add = true}
      %dma_wait3A_124 = arith.constant 0 : i32
      %dma_wait3A_125 = arith.constant 0 : i32
      %dma_wait3A_126 = tpu.memref_slice %arg16[%dma_wait3A_124, %dma_wait3A_125] : memref<10048x128xf32, #tpu.memory_space<vmem_shared>> -> memref<10048x128xf32, #tpu.memory_space<vmem_shared>>
      tpu.wait_indirect_dma semaphore(%run_scoped3A : memref<!tpu.dma_semaphore, #tpu.memory_space<semaphore_mem>>) src(%arg13 : memref<64x128xf32, #tpu.memory_space<vmem>>) dst(%dma_wait3A_126 : memref<10048x128xf32, #tpu.memory_space<vmem_shared>>)
      tpu.yield
    }) : () -> ()
    %add3A_96 = arith.constant 2 : i32
    %add3A_97 = arith.addi %sub3A_76, %add3A_96 : i32
    %dma_wait3A_98 = tpu.memref_slice %arg4[%mul3A_8] : memref<337408xi32, #tpu.memory_space<hbm>> -> memref<64xi32, #tpu.memory_space<hbm>>
    %dma_wait3A_99 = tpu.memref_slice %arg4[%mul3A_8] : memref<337408xi32, #tpu.memory_space<hbm>> -> memref<64xi32, #tpu.memory_space<hbm>>
    tpu.wait_dma2 semaphore(%arg23 : memref<!tpu.dma_semaphore, #tpu.memory_space<semaphore_mem>>) src(%dma_wait3A_99 : memref<64xi32, #tpu.memory_space<hbm>>) dst(%arg10 : memref<64xi32, #tpu.memory_space<vmem>>)
    %mul3A_100 = arith.constant 64 : i32
    %mul3A_101 = arith.muli %add3A_97, %mul3A_100 : i32
    %dma_wait3A_102 = tpu.memref_slice %arg7[%mul3A_101] : memref<15104xi32, #tpu.memory_space<vmem>> -> memref<64xi32, #tpu.memory_space<vmem>>
    %dma_wait3A_103 = arith.constant 0 : i32
    %dma_wait3A_104 = arith.constant 0 : i32
    %dma_wait3A_105 = tpu.memref_slice %arg2[%dma_wait3A_103, %dma_wait3A_104] : memref<80000x128xf32, #tpu.memory_space<hbm>> -> memref<80000x128xf32, #tpu.memory_space<hbm>>
    tpu.wait_indirect_dma semaphore(%arg19 : memref<!tpu.dma_semaphore, #tpu.memory_space<semaphore_mem>>) src(%dma_wait3A_105 : memref<80000x128xf32, #tpu.memory_space<hbm>>) dst(%arg14 : memref<64x128xf32, #tpu.memory_space<vmem>>)
    "tpu.region"() ({
      %run_scoped3A = tpu.sem_alloc : memref<!tpu.dma_semaphore, #tpu.memory_space<semaphore_mem>>
      %dma_start3A_121 = arith.constant 0 : i32
      %dma_start3A_122 = arith.constant 0 : i32
      %dma_start3A_123 = tpu.memref_slice %arg16[%dma_start3A_121, %dma_start3A_122] : memref<10048x128xf32, #tpu.memory_space<vmem_shared>> -> memref<10048x128xf32, #tpu.memory_space<vmem_shared>>
      tpu.enqueue_indirect_dma source(%arg14 : memref<64x128xf32, #tpu.memory_space<vmem>>) target(%dma_start3A_123 : memref<10048x128xf32, #tpu.memory_space<vmem_shared>>) offsets(%arg10 : memref<64xi32, #tpu.memory_space<vmem>>) semaphore(%run_scoped3A : memref<!tpu.dma_semaphore, #tpu.memory_space<semaphore_mem>>) {add = true}
      %dma_wait3A_124 = arith.constant 0 : i32
      %dma_wait3A_125 = arith.constant 0 : i32
      %dma_wait3A_126 = tpu.memref_slice %arg16[%dma_wait3A_124, %dma_wait3A_125] : memref<10048x128xf32, #tpu.memory_space<vmem_shared>> -> memref<10048x128xf32, #tpu.memory_space<vmem_shared>>
      tpu.wait_indirect_dma semaphore(%run_scoped3A : memref<!tpu.dma_semaphore, #tpu.memory_space<semaphore_mem>>) src(%arg14 : memref<64x128xf32, #tpu.memory_space<vmem>>) dst(%dma_wait3A_126 : memref<10048x128xf32, #tpu.memory_space<vmem_shared>>)
      tpu.yield
    }) : () -> ()
    %add3A_106 = arith.constant 3 : i32
    %add3A_107 = arith.addi %sub3A_76, %add3A_106 : i32
    %dma_wait3A_108 = tpu.memref_slice %arg4[%mul3A_8] : memref<337408xi32, #tpu.memory_space<hbm>> -> memref<64xi32, #tpu.memory_space<hbm>>
    %dma_wait3A_109 = tpu.memref_slice %arg4[%mul3A_8] : memref<337408xi32, #tpu.memory_space<hbm>> -> memref<64xi32, #tpu.memory_space<hbm>>
    tpu.wait_dma2 semaphore(%arg24 : memref<!tpu.dma_semaphore, #tpu.memory_space<semaphore_mem>>) src(%dma_wait3A_109 : memref<64xi32, #tpu.memory_space<hbm>>) dst(%arg11 : memref<64xi32, #tpu.memory_space<vmem>>)
    %mul3A_110 = arith.constant 64 : i32
    %mul3A_111 = arith.muli %add3A_107, %mul3A_110 : i32
    %dma_wait3A_112 = tpu.memref_slice %arg7[%mul3A_111] : memref<15104xi32, #tpu.memory_space<vmem>> -> memref<64xi32, #tpu.memory_space<vmem>>
    %dma_wait3A_113 = arith.constant 0 : i32
    %dma_wait3A_114 = arith.constant 0 : i32
    %dma_wait3A_115 = tpu.memref_slice %arg2[%dma_wait3A_113, %dma_wait3A_114] : memref<80000x128xf32, #tpu.memory_space<hbm>> -> memref<80000x128xf32, #tpu.memory_space<hbm>>
    tpu.wait_indirect_dma semaphore(%arg20 : memref<!tpu.dma_semaphore, #tpu.memory_space<semaphore_mem>>) src(%dma_wait3A_115 : memref<80000x128xf32, #tpu.memory_space<hbm>>) dst(%arg15 : memref<64x128xf32, #tpu.memory_space<vmem>>)
    "tpu.region"() ({
      %run_scoped3A = tpu.sem_alloc : memref<!tpu.dma_semaphore, #tpu.memory_space<semaphore_mem>>
      %dma_start3A_121 = arith.constant 0 : i32
      %dma_start3A_122 = arith.constant 0 : i32
      %dma_start3A_123 = tpu.memref_slice %arg16[%dma_start3A_121, %dma_start3A_122] : memref<10048x128xf32, #tpu.memory_space<vmem_shared>> -> memref<10048x128xf32, #tpu.memory_space<vmem_shared>>
      tpu.enqueue_indirect_dma source(%arg15 : memref<64x128xf32, #tpu.memory_space<vmem>>) target(%dma_start3A_123 : memref<10048x128xf32, #tpu.memory_space<vmem_shared>>) offsets(%arg11 : memref<64xi32, #tpu.memory_space<vmem>>) semaphore(%run_scoped3A : memref<!tpu.dma_semaphore, #tpu.memory_space<semaphore_mem>>) {add = true}
      %dma_wait3A_124 = arith.constant 0 : i32
      %dma_wait3A_125 = arith.constant 0 : i32
      %dma_wait3A_126 = tpu.memref_slice %arg16[%dma_wait3A_124, %dma_wait3A_125] : memref<10048x128xf32, #tpu.memory_space<vmem_shared>> -> memref<10048x128xf32, #tpu.memory_space<vmem_shared>>
      tpu.wait_indirect_dma semaphore(%run_scoped3A : memref<!tpu.dma_semaphore, #tpu.memory_space<semaphore_mem>>) src(%arg15 : memref<64x128xf32, #tpu.memory_space<vmem>>) dst(%dma_wait3A_126 : memref<10048x128xf32, #tpu.memory_space<vmem_shared>>)
      tpu.yield
    }) : () -> ()
    %barrier3A_116 = arith.constant 0 : index
    tpu.barrier barrier_id(%barrier3A_116)
    %mul3A_117 = arith.constant 624 : i32
    %mul3A_118 = arith.muli %arg1, %mul3A_117 : i32
    %mul3A_119 = arith.constant 624 : i32
    %mul3A_120 = arith.muli %arg1, %mul3A_119 : i32
    "tpu.region"() ({
      %run_scoped3A = tpu.sem_alloc : memref<!tpu.dma_semaphore, #tpu.memory_space<semaphore_mem>>
      %dma_start3A_121 = arith.constant 0 : i32
      %dma_start3A_122 = tpu.memref_slice %arg6[%arg0, %mul3A_120, %dma_start3A_121] : memref<2x10000x128xf32, #tpu.memory_space<hbm>> -> memref<1x640x128xf32, #tpu.memory_space<hbm>>
      %dma_start3A_123 = tpu.memref_squeeze %dma_start3A_122 : memref<1x640x128xf32, #tpu.memory_space<hbm>> -> memref<640x128xf32, #tpu.memory_space<hbm>>
      %dma_start3A_124 = arith.constant 0 : i32
      %dma_start3A_125 = tpu.memref_slice %arg16[%mul3A_118, %dma_start3A_124] : memref<10048x128xf32, #tpu.memory_space<vmem_shared>> -> memref<640x128xf32, #tpu.memory_space<vmem_shared>>
      tpu.enqueue_dma source(%dma_start3A_125 : memref<640x128xf32, #tpu.memory_space<vmem_shared>>) target(%dma_start3A_123 : memref<640x128xf32, #tpu.memory_space<hbm>>) target_semaphore(%run_scoped3A : memref<!tpu.dma_semaphore, #tpu.memory_space<semaphore_mem>>)
      %dma_wait3A_126 = arith.constant 0 : i32
      %dma_wait3A_127 = tpu.memref_slice %arg6[%arg0, %mul3A_120, %dma_wait3A_126] : memref<2x10000x128xf32, #tpu.memory_space<hbm>> -> memref<1x640x128xf32, #tpu.memory_space<hbm>>
      %dma_wait3A_128 = tpu.memref_squeeze %dma_wait3A_127 : memref<1x640x128xf32, #tpu.memory_space<hbm>> -> memref<640x128xf32, #tpu.memory_space<hbm>>
      %dma_wait3A_129 = arith.constant 0 : i32
      %dma_wait3A_130 = tpu.memref_slice %arg16[%mul3A_118, %dma_wait3A_129] : memref<10048x128xf32, #tpu.memory_space<vmem_shared>> -> memref<640x128xf32, #tpu.memory_space<vmem_shared>>
      tpu.wait_dma2 semaphore(%run_scoped3A : memref<!tpu.dma_semaphore, #tpu.memory_space<semaphore_mem>>) src(%dma_wait3A_130 : memref<640x128xf32, #tpu.memory_space<vmem_shared>>) dst(%dma_wait3A_128 : memref<640x128xf32, #tpu.memory_space<hbm>>)
      tpu.yield
    }) : () -> ()
    return
  }
}

module attributes {stable_mosaic.version = 14 : i64} {
  func.func @_project_body(%arg0: i32, %arg1: memref<8x4xf32, #tpu.memory_space<smem>>, %arg2: memref<1000x128xf32, #tpu.memory_space<vmem>>, %arg3: memref<4x128x128xf32, #tpu.memory_space<vmem>>, %arg4: memref<256x128xi32, #tpu.memory_space<vmem>>, %arg5: memref<256x128xi32, #tpu.memory_space<vmem>>, %arg6: memref<1000x1024xf32, #tpu.memory_space<vmem>>, %arg7: memref<256x128xi32, #tpu.memory_space<vmem>>) attributes {dimension_semantics = [#tpu.dimension_semantics<arbitrary>], iteration_bounds = array<i64: 10>, scalar_prefetch = 0 : i64, scratch_operands = 0 : i64, tpu.core_type = #tpu.core_type<tc>, window_params = [{transform_indices = @transform_0, window_bounds = array<i64: 8, 4>}, {transform_indices = @transform_1, window_bounds = array<i64: 1000, 128>}, {pipeline_mode = #tpu.pipeline_mode<synchronous>, transform_indices = @transform_2, window_bounds = array<i64: 4, 128, 128>}, {transform_indices = @transform_3, window_bounds = array<i64: 256, 128>}, {transform_indices = @transform_4, window_bounds = array<i64: 256, 128>}, {transform_indices = @transform_5, window_bounds = array<i64: 1000, 1024>}, {transform_indices = @transform_6, window_bounds = array<i64: 256, 128>}]} {
    %get3A = arith.constant 0 : index
    %get3A_0 = arith.constant 0 : index
    %get3A_1 = vector.load %arg2[%get3A, %get3A_0] : memref<1000x128xf32, #tpu.memory_space<vmem>>, vector<1000x128xf32>
    %get3A_2 = arith.constant 0 : index
    %get3A_3 = arith.constant 0 : index
    %get3A_4 = memref.load %arg1[%get3A_2, %get3A_3] : memref<8x4xf32, #tpu.memory_space<smem>>
    %get3A_5 = arith.constant 0 : index
    %get3A_6 = arith.constant 0 : index
    %get3A_7 = arith.constant 0 : index
    %get3A_8 = vector.load %arg3[%get3A_5, %get3A_6, %get3A_7] : memref<4x128x128xf32, #tpu.memory_space<vmem>>, vector<1x128x128xf32>
    %get3A_9 = vector.shape_cast %get3A_8 : vector<1x128x128xf32> to vector<128x128xf32>
    %mul3A = vector.broadcast %get3A_4 : f32 to vector<128x128xf32>
    %mul3A_10 = arith.mulf %mul3A, %get3A_9 : vector<128x128xf32>
    %get3A_11 = arith.constant 0 : index
    %get3A_12 = arith.constant 1 : index
    %get3A_13 = memref.load %arg1[%get3A_11, %get3A_12] : memref<8x4xf32, #tpu.memory_space<smem>>
    %get3A_14 = arith.constant 1 : index
    %get3A_15 = arith.constant 0 : index
    %get3A_16 = arith.constant 0 : index
    %get3A_17 = vector.load %arg3[%get3A_14, %get3A_15, %get3A_16] : memref<4x128x128xf32, #tpu.memory_space<vmem>>, vector<1x128x128xf32>
    %get3A_18 = vector.shape_cast %get3A_17 : vector<1x128x128xf32> to vector<128x128xf32>
    %mul3A_19 = vector.broadcast %get3A_13 : f32 to vector<128x128xf32>
    %mul3A_20 = arith.mulf %mul3A_19, %get3A_18 : vector<128x128xf32>
    %add3A = arith.addf %mul3A_10, %mul3A_20 : vector<128x128xf32>
    %get3A_21 = arith.constant 0 : index
    %get3A_22 = arith.constant 2 : index
    %get3A_23 = memref.load %arg1[%get3A_21, %get3A_22] : memref<8x4xf32, #tpu.memory_space<smem>>
    %get3A_24 = arith.constant 2 : index
    %get3A_25 = arith.constant 0 : index
    %get3A_26 = arith.constant 0 : index
    %get3A_27 = vector.load %arg3[%get3A_24, %get3A_25, %get3A_26] : memref<4x128x128xf32, #tpu.memory_space<vmem>>, vector<1x128x128xf32>
    %get3A_28 = vector.shape_cast %get3A_27 : vector<1x128x128xf32> to vector<128x128xf32>
    %mul3A_29 = vector.broadcast %get3A_23 : f32 to vector<128x128xf32>
    %mul3A_30 = arith.mulf %mul3A_29, %get3A_28 : vector<128x128xf32>
    %add3A_31 = arith.addf %add3A, %mul3A_30 : vector<128x128xf32>
    %get3A_32 = arith.constant 0 : index
    %get3A_33 = arith.constant 3 : index
    %get3A_34 = memref.load %arg1[%get3A_32, %get3A_33] : memref<8x4xf32, #tpu.memory_space<smem>>
    %get3A_35 = arith.constant 3 : index
    %get3A_36 = arith.constant 0 : index
    %get3A_37 = arith.constant 0 : index
    %get3A_38 = vector.load %arg3[%get3A_35, %get3A_36, %get3A_37] : memref<4x128x128xf32, #tpu.memory_space<vmem>>, vector<1x128x128xf32>
    %get3A_39 = vector.shape_cast %get3A_38 : vector<1x128x128xf32> to vector<128x128xf32>
    %mul3A_40 = vector.broadcast %get3A_34 : f32 to vector<128x128xf32>
    %mul3A_41 = arith.mulf %mul3A_40, %get3A_39 : vector<128x128xf32>
    %add3A_42 = arith.addf %add3A_31, %mul3A_41 : vector<128x128xf32>
    %dot_general3A = arith.constant dense<0.000000e+00> : vector<1000x128xf32>
    %dot_general3A_43 = tpu.matmul %get3A_1, %add3A_42, %dot_general3A {dimension_numbers = #tpu.dot_dimension_numbers<[1], [0], [0], [1], [0, 0, 1, 1], [], []>, transpose_lhs_hint = false} : vector<1000x128xf32>, vector<128x128xf32>, vector<1000x128xf32> -> vector<1000x128xf32>
    %swap3A = arith.constant 0 : index
    %swap3A_44 = arith.constant 0 : index
    %swap3A_45 = vector.load %arg6[%swap3A, %swap3A_44] : memref<1000x1024xf32, #tpu.memory_space<vmem>>, vector<1000x128xf32>
    tpu.vector_store %arg6[%swap3A, %swap3A_44], %dot_general3A_43 {strides = array<i32>} : memref<1000x1024xf32, #tpu.memory_space<vmem>>, vector<1000x128xf32>,
    %get3A_46 = arith.constant 1 : index
    %get3A_47 = arith.constant 0 : index
    %get3A_48 = memref.load %arg1[%get3A_46, %get3A_47] : memref<8x4xf32, #tpu.memory_space<smem>>
    %get3A_49 = arith.constant 0 : index
    %get3A_50 = arith.constant 0 : index
    %get3A_51 = arith.constant 0 : index
    %get3A_52 = vector.load %arg3[%get3A_49, %get3A_50, %get3A_51] : memref<4x128x128xf32, #tpu.memory_space<vmem>>, vector<1x128x128xf32>
    %get3A_53 = vector.shape_cast %get3A_52 : vector<1x128x128xf32> to vector<128x128xf32>
    %mul3A_54 = vector.broadcast %get3A_48 : f32 to vector<128x128xf32>
    %mul3A_55 = arith.mulf %mul3A_54, %get3A_53 : vector<128x128xf32>
    %get3A_56 = arith.constant 1 : index
    %get3A_57 = arith.constant 1 : index
    %get3A_58 = memref.load %arg1[%get3A_56, %get3A_57] : memref<8x4xf32, #tpu.memory_space<smem>>
    %get3A_59 = arith.constant 1 : index
    %get3A_60 = arith.constant 0 : index
    %get3A_61 = arith.constant 0 : index
    %get3A_62 = vector.load %arg3[%get3A_59, %get3A_60, %get3A_61] : memref<4x128x128xf32, #tpu.memory_space<vmem>>, vector<1x128x128xf32>
    %get3A_63 = vector.shape_cast %get3A_62 : vector<1x128x128xf32> to vector<128x128xf32>
    %mul3A_64 = vector.broadcast %get3A_58 : f32 to vector<128x128xf32>
    %mul3A_65 = arith.mulf %mul3A_64, %get3A_63 : vector<128x128xf32>
    %add3A_66 = arith.addf %mul3A_55, %mul3A_65 : vector<128x128xf32>
    %get3A_67 = arith.constant 1 : index
    %get3A_68 = arith.constant 2 : index
    %get3A_69 = memref.load %arg1[%get3A_67, %get3A_68] : memref<8x4xf32, #tpu.memory_space<smem>>
    %get3A_70 = arith.constant 2 : index
    %get3A_71 = arith.constant 0 : index
    %get3A_72 = arith.constant 0 : index
    %get3A_73 = vector.load %arg3[%get3A_70, %get3A_71, %get3A_72] : memref<4x128x128xf32, #tpu.memory_space<vmem>>, vector<1x128x128xf32>
    %get3A_74 = vector.shape_cast %get3A_73 : vector<1x128x128xf32> to vector<128x128xf32>
    %mul3A_75 = vector.broadcast %get3A_69 : f32 to vector<128x128xf32>
    %mul3A_76 = arith.mulf %mul3A_75, %get3A_74 : vector<128x128xf32>
    %add3A_77 = arith.addf %add3A_66, %mul3A_76 : vector<128x128xf32>
    %get3A_78 = arith.constant 1 : index
    %get3A_79 = arith.constant 3 : index
    %get3A_80 = memref.load %arg1[%get3A_78, %get3A_79] : memref<8x4xf32, #tpu.memory_space<smem>>
    %get3A_81 = arith.constant 3 : index
    %get3A_82 = arith.constant 0 : index
    %get3A_83 = arith.constant 0 : index
    %get3A_84 = vector.load %arg3[%get3A_81, %get3A_82, %get3A_83] : memref<4x128x128xf32, #tpu.memory_space<vmem>>, vector<1x128x128xf32>
    %get3A_85 = vector.shape_cast %get3A_84 : vector<1x128x128xf32> to vector<128x128xf32>
    %mul3A_86 = vector.broadcast %get3A_80 : f32 to vector<128x128xf32>
    %mul3A_87 = arith.mulf %mul3A_86, %get3A_85 : vector<128x128xf32>
    %add3A_88 = arith.addf %add3A_77, %mul3A_87 : vector<128x128xf32>
    %dot_general3A_89 = arith.constant dense<0.000000e+00> : vector<1000x128xf32>
    %dot_general3A_90 = tpu.matmul %get3A_1, %add3A_88, %dot_general3A_89 {dimension_numbers = #tpu.dot_dimension_numbers<[1], [0], [0], [1], [0, 0, 1, 1], [], []>, transpose_lhs_hint = false} : vector<1000x128xf32>, vector<128x128xf32>, vector<1000x128xf32> -> vector<1000x128xf32>
    %swap3A_91 = arith.constant 0 : index
    %swap3A_92 = arith.constant 128 : index
    %swap3A_93 = vector.load %arg6[%swap3A_91, %swap3A_92] : memref<1000x1024xf32, #tpu.memory_space<vmem>>, vector<1000x128xf32>
    tpu.vector_store %arg6[%swap3A_91, %swap3A_92], %dot_general3A_90 {strides = array<i32>} : memref<1000x1024xf32, #tpu.memory_space<vmem>>, vector<1000x128xf32>,
    %get3A_94 = arith.constant 2 : index
    %get3A_95 = arith.constant 0 : index
    %get3A_96 = memref.load %arg1[%get3A_94, %get3A_95] : memref<8x4xf32, #tpu.memory_space<smem>>
    %get3A_97 = arith.constant 0 : index
    %get3A_98 = arith.constant 0 : index
    %get3A_99 = arith.constant 0 : index
    %get3A_100 = vector.load %arg3[%get3A_97, %get3A_98, %get3A_99] : memref<4x128x128xf32, #tpu.memory_space<vmem>>, vector<1x128x128xf32>
    %get3A_101 = vector.shape_cast %get3A_100 : vector<1x128x128xf32> to vector<128x128xf32>
    %mul3A_102 = vector.broadcast %get3A_96 : f32 to vector<128x128xf32>
    %mul3A_103 = arith.mulf %mul3A_102, %get3A_101 : vector<128x128xf32>
    %get3A_104 = arith.constant 2 : index
    %get3A_105 = arith.constant 1 : index
    %get3A_106 = memref.load %arg1[%get3A_104, %get3A_105] : memref<8x4xf32, #tpu.memory_space<smem>>
    %get3A_107 = arith.constant 1 : index
    %get3A_108 = arith.constant 0 : index
    %get3A_109 = arith.constant 0 : index
    %get3A_110 = vector.load %arg3[%get3A_107, %get3A_108, %get3A_109] : memref<4x128x128xf32, #tpu.memory_space<vmem>>, vector<1x128x128xf32>
    %get3A_111 = vector.shape_cast %get3A_110 : vector<1x128x128xf32> to vector<128x128xf32>
    %mul3A_112 = vector.broadcast %get3A_106 : f32 to vector<128x128xf32>
    %mul3A_113 = arith.mulf %mul3A_112, %get3A_111 : vector<128x128xf32>
    %add3A_114 = arith.addf %mul3A_103, %mul3A_113 : vector<128x128xf32>
    %get3A_115 = arith.constant 2 : index
    %get3A_116 = arith.constant 2 : index
    %get3A_117 = memref.load %arg1[%get3A_115, %get3A_116] : memref<8x4xf32, #tpu.memory_space<smem>>
    %get3A_118 = arith.constant 2 : index
    %get3A_119 = arith.constant 0 : index
    %get3A_120 = arith.constant 0 : index
    %get3A_121 = vector.load %arg3[%get3A_118, %get3A_119, %get3A_120] : memref<4x128x128xf32, #tpu.memory_space<vmem>>, vector<1x128x128xf32>
    %get3A_122 = vector.shape_cast %get3A_121 : vector<1x128x128xf32> to vector<128x128xf32>
    %mul3A_123 = vector.broadcast %get3A_117 : f32 to vector<128x128xf32>
    %mul3A_124 = arith.mulf %mul3A_123, %get3A_122 : vector<128x128xf32>
    %add3A_125 = arith.addf %add3A_114, %mul3A_124 : vector<128x128xf32>
    %get3A_126 = arith.constant 2 : index
    %get3A_127 = arith.constant 3 : index
    %get3A_128 = memref.load %arg1[%get3A_126, %get3A_127] : memref<8x4xf32, #tpu.memory_space<smem>>
    %get3A_129 = arith.constant 3 : index
    %get3A_130 = arith.constant 0 : index
    %get3A_131 = arith.constant 0 : index
    %get3A_132 = vector.load %arg3[%get3A_129, %get3A_130, %get3A_131] : memref<4x128x128xf32, #tpu.memory_space<vmem>>, vector<1x128x128xf32>
    %get3A_133 = vector.shape_cast %get3A_132 : vector<1x128x128xf32> to vector<128x128xf32>
    %mul3A_134 = vector.broadcast %get3A_128 : f32 to vector<128x128xf32>
    %mul3A_135 = arith.mulf %mul3A_134, %get3A_133 : vector<128x128xf32>
    %add3A_136 = arith.addf %add3A_125, %mul3A_135 : vector<128x128xf32>
    %dot_general3A_137 = arith.constant dense<0.000000e+00> : vector<1000x128xf32>
    %dot_general3A_138 = tpu.matmul %get3A_1, %add3A_136, %dot_general3A_137 {dimension_numbers = #tpu.dot_dimension_numbers<[1], [0], [0], [1], [0, 0, 1, 1], [], []>, transpose_lhs_hint = false} : vector<1000x128xf32>, vector<128x128xf32>, vector<1000x128xf32> -> vector<1000x128xf32>
    %swap3A_139 = arith.constant 0 : index
    %swap3A_140 = arith.constant 256 : index
    %swap3A_141 = vector.load %arg6[%swap3A_139, %swap3A_140] : memref<1000x1024xf32, #tpu.memory_space<vmem>>, vector<1000x128xf32>
    tpu.vector_store %arg6[%swap3A_139, %swap3A_140], %dot_general3A_138 {strides = array<i32>} : memref<1000x1024xf32, #tpu.memory_space<vmem>>, vector<1000x128xf32>,
    %get3A_142 = arith.constant 3 : index
    %get3A_143 = arith.constant 0 : index
    %get3A_144 = memref.load %arg1[%get3A_142, %get3A_143] : memref<8x4xf32, #tpu.memory_space<smem>>
    %get3A_145 = arith.constant 0 : index
    %get3A_146 = arith.constant 0 : index
    %get3A_147 = arith.constant 0 : index
    %get3A_148 = vector.load %arg3[%get3A_145, %get3A_146, %get3A_147] : memref<4x128x128xf32, #tpu.memory_space<vmem>>, vector<1x128x128xf32>
    %get3A_149 = vector.shape_cast %get3A_148 : vector<1x128x128xf32> to vector<128x128xf32>
    %mul3A_150 = vector.broadcast %get3A_144 : f32 to vector<128x128xf32>
    %mul3A_151 = arith.mulf %mul3A_150, %get3A_149 : vector<128x128xf32>
    %get3A_152 = arith.constant 3 : index
    %get3A_153 = arith.constant 1 : index
    %get3A_154 = memref.load %arg1[%get3A_152, %get3A_153] : memref<8x4xf32, #tpu.memory_space<smem>>
    %get3A_155 = arith.constant 1 : index
    %get3A_156 = arith.constant 0 : index
    %get3A_157 = arith.constant 0 : index
    %get3A_158 = vector.load %arg3[%get3A_155, %get3A_156, %get3A_157] : memref<4x128x128xf32, #tpu.memory_space<vmem>>, vector<1x128x128xf32>
    %get3A_159 = vector.shape_cast %get3A_158 : vector<1x128x128xf32> to vector<128x128xf32>
    %mul3A_160 = vector.broadcast %get3A_154 : f32 to vector<128x128xf32>
    %mul3A_161 = arith.mulf %mul3A_160, %get3A_159 : vector<128x128xf32>
    %add3A_162 = arith.addf %mul3A_151, %mul3A_161 : vector<128x128xf32>
    %get3A_163 = arith.constant 3 : index
    %get3A_164 = arith.constant 2 : index
    %get3A_165 = memref.load %arg1[%get3A_163, %get3A_164] : memref<8x4xf32, #tpu.memory_space<smem>>
    %get3A_166 = arith.constant 2 : index
    %get3A_167 = arith.constant 0 : index
    %get3A_168 = arith.constant 0 : index
    %get3A_169 = vector.load %arg3[%get3A_166, %get3A_167, %get3A_168] : memref<4x128x128xf32, #tpu.memory_space<vmem>>, vector<1x128x128xf32>
    %get3A_170 = vector.shape_cast %get3A_169 : vector<1x128x128xf32> to vector<128x128xf32>
    %mul3A_171 = vector.broadcast %get3A_165 : f32 to vector<128x128xf32>
    %mul3A_172 = arith.mulf %mul3A_171, %get3A_170 : vector<128x128xf32>
    %add3A_173 = arith.addf %add3A_162, %mul3A_172 : vector<128x128xf32>
    %get3A_174 = arith.constant 3 : index
    %get3A_175 = arith.constant 3 : index
    %get3A_176 = memref.load %arg1[%get3A_174, %get3A_175] : memref<8x4xf32, #tpu.memory_space<smem>>
    %get3A_177 = arith.constant 3 : index
    %get3A_178 = arith.constant 0 : index
    %get3A_179 = arith.constant 0 : index
    %get3A_180 = vector.load %arg3[%get3A_177, %get3A_178, %get3A_179] : memref<4x128x128xf32, #tpu.memory_space<vmem>>, vector<1x128x128xf32>
    %get3A_181 = vector.shape_cast %get3A_180 : vector<1x128x128xf32> to vector<128x128xf32>
    %mul3A_182 = vector.broadcast %get3A_176 : f32 to vector<128x128xf32>
    %mul3A_183 = arith.mulf %mul3A_182, %get3A_181 : vector<128x128xf32>
    %add3A_184 = arith.addf %add3A_173, %mul3A_183 : vector<128x128xf32>
    %dot_general3A_185 = arith.constant dense<0.000000e+00> : vector<1000x128xf32>
    %dot_general3A_186 = tpu.matmul %get3A_1, %add3A_184, %dot_general3A_185 {dimension_numbers = #tpu.dot_dimension_numbers<[1], [0], [0], [1], [0, 0, 1, 1], [], []>, transpose_lhs_hint = false} : vector<1000x128xf32>, vector<128x128xf32>, vector<1000x128xf32> -> vector<1000x128xf32>
    %swap3A_187 = arith.constant 0 : index
    %swap3A_188 = arith.constant 384 : index
    %swap3A_189 = vector.load %arg6[%swap3A_187, %swap3A_188] : memref<1000x1024xf32, #tpu.memory_space<vmem>>, vector<1000x128xf32>
    tpu.vector_store %arg6[%swap3A_187, %swap3A_188], %dot_general3A_186 {strides = array<i32>} : memref<1000x1024xf32, #tpu.memory_space<vmem>>, vector<1000x128xf32>,
    %get3A_190 = arith.constant 4 : index
    %get3A_191 = arith.constant 0 : index
    %get3A_192 = memref.load %arg1[%get3A_190, %get3A_191] : memref<8x4xf32, #tpu.memory_space<smem>>
    %get3A_193 = arith.constant 0 : index
    %get3A_194 = arith.constant 0 : index
    %get3A_195 = arith.constant 0 : index
    %get3A_196 = vector.load %arg3[%get3A_193, %get3A_194, %get3A_195] : memref<4x128x128xf32, #tpu.memory_space<vmem>>, vector<1x128x128xf32>
    %get3A_197 = vector.shape_cast %get3A_196 : vector<1x128x128xf32> to vector<128x128xf32>
    %mul3A_198 = vector.broadcast %get3A_192 : f32 to vector<128x128xf32>
    %mul3A_199 = arith.mulf %mul3A_198, %get3A_197 : vector<128x128xf32>
    %get3A_200 = arith.constant 4 : index
    %get3A_201 = arith.constant 1 : index
    %get3A_202 = memref.load %arg1[%get3A_200, %get3A_201] : memref<8x4xf32, #tpu.memory_space<smem>>
    %get3A_203 = arith.constant 1 : index
    %get3A_204 = arith.constant 0 : index
    %get3A_205 = arith.constant 0 : index
    %get3A_206 = vector.load %arg3[%get3A_203, %get3A_204, %get3A_205] : memref<4x128x128xf32, #tpu.memory_space<vmem>>, vector<1x128x128xf32>
    %get3A_207 = vector.shape_cast %get3A_206 : vector<1x128x128xf32> to vector<128x128xf32>
    %mul3A_208 = vector.broadcast %get3A_202 : f32 to vector<128x128xf32>
    %mul3A_209 = arith.mulf %mul3A_208, %get3A_207 : vector<128x128xf32>
    %add3A_210 = arith.addf %mul3A_199, %mul3A_209 : vector<128x128xf32>
    %get3A_211 = arith.constant 4 : index
    %get3A_212 = arith.constant 2 : index
    %get3A_213 = memref.load %arg1[%get3A_211, %get3A_212] : memref<8x4xf32, #tpu.memory_space<smem>>
    %get3A_214 = arith.constant 2 : index
    %get3A_215 = arith.constant 0 : index
    %get3A_216 = arith.constant 0 : index
    %get3A_217 = vector.load %arg3[%get3A_214, %get3A_215, %get3A_216] : memref<4x128x128xf32, #tpu.memory_space<vmem>>, vector<1x128x128xf32>
    %get3A_218 = vector.shape_cast %get3A_217 : vector<1x128x128xf32> to vector<128x128xf32>
    %mul3A_219 = vector.broadcast %get3A_213 : f32 to vector<128x128xf32>
    %mul3A_220 = arith.mulf %mul3A_219, %get3A_218 : vector<128x128xf32>
    %add3A_221 = arith.addf %add3A_210, %mul3A_220 : vector<128x128xf32>
    %get3A_222 = arith.constant 4 : index
    %get3A_223 = arith.constant 3 : index
    %get3A_224 = memref.load %arg1[%get3A_222, %get3A_223] : memref<8x4xf32, #tpu.memory_space<smem>>
    %get3A_225 = arith.constant 3 : index
    %get3A_226 = arith.constant 0 : index
    %get3A_227 = arith.constant 0 : index
    %get3A_228 = vector.load %arg3[%get3A_225, %get3A_226, %get3A_227] : memref<4x128x128xf32, #tpu.memory_space<vmem>>, vector<1x128x128xf32>
    %get3A_229 = vector.shape_cast %get3A_228 : vector<1x128x128xf32> to vector<128x128xf32>
    %mul3A_230 = vector.broadcast %get3A_224 : f32 to vector<128x128xf32>
    %mul3A_231 = arith.mulf %mul3A_230, %get3A_229 : vector<128x128xf32>
    %add3A_232 = arith.addf %add3A_221, %mul3A_231 : vector<128x128xf32>
    %dot_general3A_233 = arith.constant dense<0.000000e+00> : vector<1000x128xf32>
    %dot_general3A_234 = tpu.matmul %get3A_1, %add3A_232, %dot_general3A_233 {dimension_numbers = #tpu.dot_dimension_numbers<[1], [0], [0], [1], [0, 0, 1, 1], [], []>, transpose_lhs_hint = false} : vector<1000x128xf32>, vector<128x128xf32>, vector<1000x128xf32> -> vector<1000x128xf32>
    %swap3A_235 = arith.constant 0 : index
    %swap3A_236 = arith.constant 512 : index
    %swap3A_237 = vector.load %arg6[%swap3A_235, %swap3A_236] : memref<1000x1024xf32, #tpu.memory_space<vmem>>, vector<1000x128xf32>
    tpu.vector_store %arg6[%swap3A_235, %swap3A_236], %dot_general3A_234 {strides = array<i32>} : memref<1000x1024xf32, #tpu.memory_space<vmem>>, vector<1000x128xf32>,
    %get3A_238 = arith.constant 5 : index
    %get3A_239 = arith.constant 0 : index
    %get3A_240 = memref.load %arg1[%get3A_238, %get3A_239] : memref<8x4xf32, #tpu.memory_space<smem>>
    %get3A_241 = arith.constant 0 : index
    %get3A_242 = arith.constant 0 : index
    %get3A_243 = arith.constant 0 : index
    %get3A_244 = vector.load %arg3[%get3A_241, %get3A_242, %get3A_243] : memref<4x128x128xf32, #tpu.memory_space<vmem>>, vector<1x128x128xf32>
    %get3A_245 = vector.shape_cast %get3A_244 : vector<1x128x128xf32> to vector<128x128xf32>
    %mul3A_246 = vector.broadcast %get3A_240 : f32 to vector<128x128xf32>
    %mul3A_247 = arith.mulf %mul3A_246, %get3A_245 : vector<128x128xf32>
    %get3A_248 = arith.constant 5 : index
    %get3A_249 = arith.constant 1 : index
    %get3A_250 = memref.load %arg1[%get3A_248, %get3A_249] : memref<8x4xf32, #tpu.memory_space<smem>>
    %get3A_251 = arith.constant 1 : index
    %get3A_252 = arith.constant 0 : index
    %get3A_253 = arith.constant 0 : index
    %get3A_254 = vector.load %arg3[%get3A_251, %get3A_252, %get3A_253] : memref<4x128x128xf32, #tpu.memory_space<vmem>>, vector<1x128x128xf32>
    %get3A_255 = vector.shape_cast %get3A_254 : vector<1x128x128xf32> to vector<128x128xf32>
    %mul3A_256 = vector.broadcast %get3A_250 : f32 to vector<128x128xf32>
    %mul3A_257 = arith.mulf %mul3A_256, %get3A_255 : vector<128x128xf32>
    %add3A_258 = arith.addf %mul3A_247, %mul3A_257 : vector<128x128xf32>
    %get3A_259 = arith.constant 5 : index
    %get3A_260 = arith.constant 2 : index
    %get3A_261 = memref.load %arg1[%get3A_259, %get3A_260] : memref<8x4xf32, #tpu.memory_space<smem>>
    %get3A_262 = arith.constant 2 : index
    %get3A_263 = arith.constant 0 : index
    %get3A_264 = arith.constant 0 : index
    %get3A_265 = vector.load %arg3[%get3A_262, %get3A_263, %get3A_264] : memref<4x128x128xf32, #tpu.memory_space<vmem>>, vector<1x128x128xf32>
    %get3A_266 = vector.shape_cast %get3A_265 : vector<1x128x128xf32> to vector<128x128xf32>
    %mul3A_267 = vector.broadcast %get3A_261 : f32 to vector<128x128xf32>
    %mul3A_268 = arith.mulf %mul3A_267, %get3A_266 : vector<128x128xf32>
    %add3A_269 = arith.addf %add3A_258, %mul3A_268 : vector<128x128xf32>
    %get3A_270 = arith.constant 5 : index
    %get3A_271 = arith.constant 3 : index
    %get3A_272 = memref.load %arg1[%get3A_270, %get3A_271] : memref<8x4xf32, #tpu.memory_space<smem>>
    %get3A_273 = arith.constant 3 : index
    %get3A_274 = arith.constant 0 : index
    %get3A_275 = arith.constant 0 : index
    %get3A_276 = vector.load %arg3[%get3A_273, %get3A_274, %get3A_275] : memref<4x128x128xf32, #tpu.memory_space<vmem>>, vector<1x128x128xf32>
    %get3A_277 = vector.shape_cast %get3A_276 : vector<1x128x128xf32> to vector<128x128xf32>
    %mul3A_278 = vector.broadcast %get3A_272 : f32 to vector<128x128xf32>
    %mul3A_279 = arith.mulf %mul3A_278, %get3A_277 : vector<128x128xf32>
    %add3A_280 = arith.addf %add3A_269, %mul3A_279 : vector<128x128xf32>
    %dot_general3A_281 = arith.constant dense<0.000000e+00> : vector<1000x128xf32>
    %dot_general3A_282 = tpu.matmul %get3A_1, %add3A_280, %dot_general3A_281 {dimension_numbers = #tpu.dot_dimension_numbers<[1], [0], [0], [1], [0, 0, 1, 1], [], []>, transpose_lhs_hint = false} : vector<1000x128xf32>, vector<128x128xf32>, vector<1000x128xf32> -> vector<1000x128xf32>
    %swap3A_283 = arith.constant 0 : index
    %swap3A_284 = arith.constant 640 : index
    %swap3A_285 = vector.load %arg6[%swap3A_283, %swap3A_284] : memref<1000x1024xf32, #tpu.memory_space<vmem>>, vector<1000x128xf32>
    tpu.vector_store %arg6[%swap3A_283, %swap3A_284], %dot_general3A_282 {strides = array<i32>} : memref<1000x1024xf32, #tpu.memory_space<vmem>>, vector<1000x128xf32>,
    %get3A_286 = arith.constant 6 : index
    %get3A_287 = arith.constant 0 : index
    %get3A_288 = memref.load %arg1[%get3A_286, %get3A_287] : memref<8x4xf32, #tpu.memory_space<smem>>
    %get3A_289 = arith.constant 0 : index
    %get3A_290 = arith.constant 0 : index
    %get3A_291 = arith.constant 0 : index
    %get3A_292 = vector.load %arg3[%get3A_289, %get3A_290, %get3A_291] : memref<4x128x128xf32, #tpu.memory_space<vmem>>, vector<1x128x128xf32>
    %get3A_293 = vector.shape_cast %get3A_292 : vector<1x128x128xf32> to vector<128x128xf32>
    %mul3A_294 = vector.broadcast %get3A_288 : f32 to vector<128x128xf32>
    %mul3A_295 = arith.mulf %mul3A_294, %get3A_293 : vector<128x128xf32>
    %get3A_296 = arith.constant 6 : index
    %get3A_297 = arith.constant 1 : index
    %get3A_298 = memref.load %arg1[%get3A_296, %get3A_297] : memref<8x4xf32, #tpu.memory_space<smem>>
    %get3A_299 = arith.constant 1 : index
    %get3A_300 = arith.constant 0 : index
    %get3A_301 = arith.constant 0 : index
    %get3A_302 = vector.load %arg3[%get3A_299, %get3A_300, %get3A_301] : memref<4x128x128xf32, #tpu.memory_space<vmem>>, vector<1x128x128xf32>
    %get3A_303 = vector.shape_cast %get3A_302 : vector<1x128x128xf32> to vector<128x128xf32>
    %mul3A_304 = vector.broadcast %get3A_298 : f32 to vector<128x128xf32>
    %mul3A_305 = arith.mulf %mul3A_304, %get3A_303 : vector<128x128xf32>
    %add3A_306 = arith.addf %mul3A_295, %mul3A_305 : vector<128x128xf32>
    %get3A_307 = arith.constant 6 : index
    %get3A_308 = arith.constant 2 : index
    %get3A_309 = memref.load %arg1[%get3A_307, %get3A_308] : memref<8x4xf32, #tpu.memory_space<smem>>
    %get3A_310 = arith.constant 2 : index
    %get3A_311 = arith.constant 0 : index
    %get3A_312 = arith.constant 0 : index
    %get3A_313 = vector.load %arg3[%get3A_310, %get3A_311, %get3A_312] : memref<4x128x128xf32, #tpu.memory_space<vmem>>, vector<1x128x128xf32>
    %get3A_314 = vector.shape_cast %get3A_313 : vector<1x128x128xf32> to vector<128x128xf32>
    %mul3A_315 = vector.broadcast %get3A_309 : f32 to vector<128x128xf32>
    %mul3A_316 = arith.mulf %mul3A_315, %get3A_314 : vector<128x128xf32>
    %add3A_317 = arith.addf %add3A_306, %mul3A_316 : vector<128x128xf32>
    %get3A_318 = arith.constant 6 : index
    %get3A_319 = arith.constant 3 : index
    %get3A_320 = memref.load %arg1[%get3A_318, %get3A_319] : memref<8x4xf32, #tpu.memory_space<smem>>
    %get3A_321 = arith.constant 3 : index
    %get3A_322 = arith.constant 0 : index
    %get3A_323 = arith.constant 0 : index
    %get3A_324 = vector.load %arg3[%get3A_321, %get3A_322, %get3A_323] : memref<4x128x128xf32, #tpu.memory_space<vmem>>, vector<1x128x128xf32>
    %get3A_325 = vector.shape_cast %get3A_324 : vector<1x128x128xf32> to vector<128x128xf32>
    %mul3A_326 = vector.broadcast %get3A_320 : f32 to vector<128x128xf32>
    %mul3A_327 = arith.mulf %mul3A_326, %get3A_325 : vector<128x128xf32>
    %add3A_328 = arith.addf %add3A_317, %mul3A_327 : vector<128x128xf32>
    %dot_general3A_329 = arith.constant dense<0.000000e+00> : vector<1000x128xf32>
    %dot_general3A_330 = tpu.matmul %get3A_1, %add3A_328, %dot_general3A_329 {dimension_numbers = #tpu.dot_dimension_numbers<[1], [0], [0], [1], [0, 0, 1, 1], [], []>, transpose_lhs_hint = false} : vector<1000x128xf32>, vector<128x128xf32>, vector<1000x128xf32> -> vector<1000x128xf32>
    %swap3A_331 = arith.constant 0 : index
    %swap3A_332 = arith.constant 768 : index
    %swap3A_333 = vector.load %arg6[%swap3A_331, %swap3A_332] : memref<1000x1024xf32, #tpu.memory_space<vmem>>, vector<1000x128xf32>
    tpu.vector_store %arg6[%swap3A_331, %swap3A_332], %dot_general3A_330 {strides = array<i32>} : memref<1000x1024xf32, #tpu.memory_space<vmem>>, vector<1000x128xf32>,
    %get3A_334 = arith.constant 7 : index
    %get3A_335 = arith.constant 0 : index
    %get3A_336 = memref.load %arg1[%get3A_334, %get3A_335] : memref<8x4xf32, #tpu.memory_space<smem>>
    %get3A_337 = arith.constant 0 : index
    %get3A_338 = arith.constant 0 : index
    %get3A_339 = arith.constant 0 : index
    %get3A_340 = vector.load %arg3[%get3A_337, %get3A_338, %get3A_339] : memref<4x128x128xf32, #tpu.memory_space<vmem>>, vector<1x128x128xf32>
    %get3A_341 = vector.shape_cast %get3A_340 : vector<1x128x128xf32> to vector<128x128xf32>
    %mul3A_342 = vector.broadcast %get3A_336 : f32 to vector<128x128xf32>
    %mul3A_343 = arith.mulf %mul3A_342, %get3A_341 : vector<128x128xf32>
    %get3A_344 = arith.constant 7 : index
    %get3A_345 = arith.constant 1 : index
    %get3A_346 = memref.load %arg1[%get3A_344, %get3A_345] : memref<8x4xf32, #tpu.memory_space<smem>>
    %get3A_347 = arith.constant 1 : index
    %get3A_348 = arith.constant 0 : index
    %get3A_349 = arith.constant 0 : index
    %get3A_350 = vector.load %arg3[%get3A_347, %get3A_348, %get3A_349] : memref<4x128x128xf32, #tpu.memory_space<vmem>>, vector<1x128x128xf32>
    %get3A_351 = vector.shape_cast %get3A_350 : vector<1x128x128xf32> to vector<128x128xf32>
    %mul3A_352 = vector.broadcast %get3A_346 : f32 to vector<128x128xf32>
    %mul3A_353 = arith.mulf %mul3A_352, %get3A_351 : vector<128x128xf32>
    %add3A_354 = arith.addf %mul3A_343, %mul3A_353 : vector<128x128xf32>
    %get3A_355 = arith.constant 7 : index
    %get3A_356 = arith.constant 2 : index
    %get3A_357 = memref.load %arg1[%get3A_355, %get3A_356] : memref<8x4xf32, #tpu.memory_space<smem>>
    %get3A_358 = arith.constant 2 : index
    %get3A_359 = arith.constant 0 : index
    %get3A_360 = arith.constant 0 : index
    %get3A_361 = vector.load %arg3[%get3A_358, %get3A_359, %get3A_360] : memref<4x128x128xf32, #tpu.memory_space<vmem>>, vector<1x128x128xf32>
    %get3A_362 = vector.shape_cast %get3A_361 : vector<1x128x128xf32> to vector<128x128xf32>
    %mul3A_363 = vector.broadcast %get3A_357 : f32 to vector<128x128xf32>
    %mul3A_364 = arith.mulf %mul3A_363, %get3A_362 : vector<128x128xf32>
    %add3A_365 = arith.addf %add3A_354, %mul3A_364 : vector<128x128xf32>
    %get3A_366 = arith.constant 7 : index
    %get3A_367 = arith.constant 3 : index
    %get3A_368 = memref.load %arg1[%get3A_366, %get3A_367] : memref<8x4xf32, #tpu.memory_space<smem>>
    %get3A_369 = arith.constant 3 : index
    %get3A_370 = arith.constant 0 : index
    %get3A_371 = arith.constant 0 : index
    %get3A_372 = vector.load %arg3[%get3A_369, %get3A_370, %get3A_371] : memref<4x128x128xf32, #tpu.memory_space<vmem>>, vector<1x128x128xf32>
    %get3A_373 = vector.shape_cast %get3A_372 : vector<1x128x128xf32> to vector<128x128xf32>
    %mul3A_374 = vector.broadcast %get3A_368 : f32 to vector<128x128xf32>
    %mul3A_375 = arith.mulf %mul3A_374, %get3A_373 : vector<128x128xf32>
    %add3A_376 = arith.addf %add3A_365, %mul3A_375 : vector<128x128xf32>
    %dot_general3A_377 = arith.constant dense<0.000000e+00> : vector<1000x128xf32>
    %dot_general3A_378 = tpu.matmul %get3A_1, %add3A_376, %dot_general3A_377 {dimension_numbers = #tpu.dot_dimension_numbers<[1], [0], [0], [1], [0, 0, 1, 1], [], []>, transpose_lhs_hint = false} : vector<1000x128xf32>, vector<128x128xf32>, vector<1000x128xf32> -> vector<1000x128xf32>
    %swap3A_379 = arith.constant 0 : index
    %swap3A_380 = arith.constant 896 : index
    %swap3A_381 = vector.load %arg6[%swap3A_379, %swap3A_380] : memref<1000x1024xf32, #tpu.memory_space<vmem>>, vector<1000x128xf32>
    tpu.vector_store %arg6[%swap3A_379, %swap3A_380], %dot_general3A_378 {strides = array<i32>} : memref<1000x1024xf32, #tpu.memory_space<vmem>>, vector<1000x128xf32>,
    %get3A_382 = arith.constant 0 : index
    %get3A_383 = arith.constant 0 : index
    %get3A_384 = vector.load %arg4[%get3A_382, %get3A_383] : memref<256x128xi32, #tpu.memory_space<vmem>>, vector<256x128xi32>
    %mul3A_385 = arith.constant 8 : i32
    %mul3A_386 = vector.broadcast %mul3A_385 : i32 to vector<256x128xi32>
    %mul3A_387 = arith.muli %get3A_384, %mul3A_386 : vector<256x128xi32>
    %get3A_388 = arith.constant 0 : index
    %get3A_389 = arith.constant 0 : index
    %get3A_390 = vector.load %arg5[%get3A_388, %get3A_389] : memref<256x128xi32, #tpu.memory_space<vmem>>, vector<256x128xi32>
    %add3A_391 = arith.addi %mul3A_387, %get3A_390 : vector<256x128xi32>
    %swap3A_392 = arith.constant 0 : index
    %swap3A_393 = arith.constant 0 : index
    %swap3A_394 = vector.load %arg7[%swap3A_392, %swap3A_393] : memref<256x128xi32, #tpu.memory_space<vmem>>, vector<256x128xi32>
    tpu.vector_store %arg7[%swap3A_392, %swap3A_393], %add3A_391 {strides = array<i32>} : memref<256x128xi32, #tpu.memory_space<vmem>>, vector<256x128xi32>,
    return
  }
  func.func @transform_0(%arg0: i32) -> (i32, i32) {
    %c0_i32 = arith.constant 0 : i32
    %c0_i32_0 = arith.constant 0 : i32
    %c0_i32_1 = arith.constant 0 : i32
    return %c0_i32, %c0_i32_0 : i32, i32
  }
  func.func @transform_1(%arg0: i32) -> (i32, i32) {
    %c0_i32 = arith.constant 0 : i32
    %c0_i32_0 = arith.constant 0 : i32
    return %arg0, %c0_i32 : i32, i32
  }
  func.func @transform_2(%arg0: i32) -> (i32, i32, i32) {
    %c0_i32 = arith.constant 0 : i32
    %c0_i32_0 = arith.constant 0 : i32
    %c0_i32_1 = arith.constant 0 : i32
    %c0_i32_2 = arith.constant 0 : i32
    return %c0_i32, %c0_i32_0, %c0_i32_1 : i32, i32, i32
  }
  func.func @transform_3(%arg0: i32) -> (i32, i32) {
    %c0_i32 = arith.constant 0 : i32
    %c0_i32_0 = arith.constant 0 : i32
    return %arg0, %c0_i32 : i32, i32
  }
  func.func @transform_4(%arg0: i32) -> (i32, i32) {
    %c0_i32 = arith.constant 0 : i32
    %c0_i32_0 = arith.constant 0 : i32
    return %arg0, %c0_i32 : i32, i32
  }
  func.func @transform_5(%arg0: i32) -> (i32, i32) {
    %c0_i32 = arith.constant 0 : i32
    %c0_i32_0 = arith.constant 0 : i32
    return %arg0, %c0_i32 : i32, i32
  }
  func.func @transform_6(%arg0: i32) -> (i32, i32) {
    %c0_i32 = arith.constant 0 : i32
    %c0_i32_0 = arith.constant 0 : i32
    return %arg0, %c0_i32 : i32, i32
  }
}

module attributes {stable_mosaic.version = 14 : i64} {
  func.func @_finish_body(%arg0: i32, %arg1: memref<1000x128xf32, #tpu.memory_space<vmem>>, %arg2: memref<1000x128xf32, #tpu.memory_space<vmem>>, %arg3: memref<1000x128xf32, #tpu.memory_space<vmem>>, %arg4: memref<128x128xf32, #tpu.memory_space<vmem>>, %arg5: memref<1x128xf32, #tpu.memory_space<vmem>>, %arg6: memref<1x128xf32, #tpu.memory_space<vmem>>, %arg7: memref<1x128xf32, #tpu.memory_space<vmem>>, %arg8: memref<1000x128xf32, #tpu.memory_space<vmem>>) attributes {dimension_semantics = [#tpu.dimension_semantics<arbitrary>], iteration_bounds = array<i64: 10>, scalar_prefetch = 0 : i64, scratch_operands = 0 : i64, tpu.core_type = #tpu.core_type<tc>, window_params = [{transform_indices = @transform_0, window_bounds = array<i64: 1000, 128>}, {transform_indices = @transform_1, window_bounds = array<i64: 1000, 128>}, {transform_indices = @transform_2, window_bounds = array<i64: 1000, 128>}, {pipeline_mode = #tpu.pipeline_mode<synchronous>, transform_indices = @transform_3, window_bounds = array<i64: 128, 128>}, {pipeline_mode = #tpu.pipeline_mode<synchronous>, transform_indices = @transform_4, window_bounds = array<i64: 1, 128>}, {pipeline_mode = #tpu.pipeline_mode<synchronous>, transform_indices = @transform_5, window_bounds = array<i64: 1, 128>}, {pipeline_mode = #tpu.pipeline_mode<synchronous>, transform_indices = @transform_6, window_bounds = array<i64: 1, 128>}, {transform_indices = @transform_7, window_bounds = array<i64: 1000, 128>}]} {
    %get3A = arith.constant 0 : index
    %get3A_0 = arith.constant 0 : index
    %get3A_1 = vector.load %arg1[%get3A, %get3A_0] : memref<1000x128xf32, #tpu.memory_space<vmem>>, vector<1000x128xf32>
    %get3A_2 = arith.constant 0 : index
    %get3A_3 = arith.constant 0 : index
    %get3A_4 = vector.load %arg2[%get3A_2, %get3A_3] : memref<1000x128xf32, #tpu.memory_space<vmem>>, vector<1000x128xf32>
    %add3A = arith.addf %get3A_1, %get3A_4 : vector<1000x128xf32>
    %get3A_5 = arith.constant 0 : index
    %get3A_6 = arith.constant 0 : index
    %get3A_7 = vector.load %arg3[%get3A_5, %get3A_6] : memref<1000x128xf32, #tpu.memory_space<vmem>>, vector<1000x128xf32>
    %get3A_8 = arith.constant 0 : index
    %get3A_9 = arith.constant 0 : index
    %get3A_10 = vector.load %arg4[%get3A_8, %get3A_9] : memref<128x128xf32, #tpu.memory_space<vmem>>, vector<128x128xf32>
    %dot_general3A = arith.constant dense<0.000000e+00> : vector<1000x128xf32>
    %dot_general3A_11 = tpu.matmul %get3A_7, %get3A_10, %dot_general3A {dimension_numbers = #tpu.dot_dimension_numbers<[1], [0], [0], [1], [0, 0, 1, 1], [], []>, transpose_lhs_hint = false} : vector<1000x128xf32>, vector<128x128xf32>, vector<1000x128xf32> -> vector<1000x128xf32>
    %add3A_12 = arith.addf %add3A, %dot_general3A_11 : vector<1000x128xf32>
    %get3A_13 = arith.constant 0 : index
    %get3A_14 = arith.constant 0 : index
    %get3A_15 = vector.load %arg5[%get3A_13, %get3A_14] : memref<1x128xf32, #tpu.memory_space<vmem>>, vector<1x128xf32>
    %add3A_16 = vector.broadcast %get3A_15 : vector<1x128xf32> to vector<1000x128xf32>
    %add3A_17 = arith.addf %add3A_12, %add3A_16 : vector<1000x128xf32>
    %ge3A = arith.constant 0.000000e+00 : f32
    %ge3A_18 = vector.broadcast %ge3A : f32 to vector<1000x128xf32>
    %ge3A_19 = arith.cmpf oge, %add3A_17, %ge3A_18 : vector<1000x128xf32>
    %mul3A = arith.constant 1.000000e-01 : f32
    %mul3A_20 = vector.broadcast %mul3A : f32 to vector<1000x128xf32>
    %mul3A_21 = arith.mulf %mul3A_20, %add3A_17 : vector<1000x128xf32>
    %select_n3A = arith.select %ge3A_19, %add3A_17, %mul3A_21 : vector<1000x128xi1>, vector<1000x128xf32>
    %reduce_sum3A = arith.constant dense<0.000000e+00> : vector<1000xf32>
    %reduce_sum3A_22 = vector.multi_reduction <add>, %select_n3A, %reduce_sum3A [1] : vector<1000x128xf32> to vector<1000xf32>
    %broadcast_in_dim3A = vector.shape_cast %reduce_sum3A_22 : vector<1000xf32> to vector<1000x1xf32>
    %div3A = arith.constant 1.280000e+02 : f32
    %div3A_23 = vector.broadcast %div3A : f32 to vector<1000x1xf32>
    %div3A_24 = arith.divf %broadcast_in_dim3A, %div3A_23 : vector<1000x1xf32>
    %sub3A = vector.broadcast %div3A_24 : vector<1000x1xf32> to vector<1000x128xf32>
    %sub3A_25 = arith.subf %select_n3A, %sub3A : vector<1000x128xf32>
    %mul3A_26 = arith.mulf %sub3A_25, %sub3A_25 : vector<1000x128xf32>
    %reduce_sum3A_27 = arith.constant dense<0.000000e+00> : vector<1000xf32>
    %reduce_sum3A_28 = vector.multi_reduction <add>, %mul3A_26, %reduce_sum3A_27 [1] : vector<1000x128xf32> to vector<1000xf32>
    %broadcast_in_dim3A_29 = vector.shape_cast %reduce_sum3A_28 : vector<1000xf32> to vector<1000x1xf32>
    %div3A_30 = arith.constant 1.280000e+02 : f32
    %div3A_31 = vector.broadcast %div3A_30 : f32 to vector<1000x1xf32>
    %div3A_32 = arith.divf %broadcast_in_dim3A_29, %div3A_31 : vector<1000x1xf32>
    %add3A_33 = arith.constant 9.99999974E-6 : f32
    %add3A_34 = vector.broadcast %add3A_33 : f32 to vector<1000x1xf32>
    %add3A_35 = arith.addf %div3A_32, %add3A_34 : vector<1000x1xf32>
    %rsqrt3A = math.rsqrt %add3A_35 : vector<1000x1xf32>
    %mul3A_36 = vector.broadcast %rsqrt3A : vector<1000x1xf32> to vector<1000x128xf32>
    %mul3A_37 = arith.mulf %sub3A_25, %mul3A_36 : vector<1000x128xf32>
    %get3A_38 = arith.constant 0 : index
    %get3A_39 = arith.constant 0 : index
    %get3A_40 = vector.load %arg6[%get3A_38, %get3A_39] : memref<1x128xf32, #tpu.memory_space<vmem>>, vector<1x128xf32>
    %mul3A_41 = vector.broadcast %get3A_40 : vector<1x128xf32> to vector<1000x128xf32>
    %mul3A_42 = arith.mulf %mul3A_37, %mul3A_41 : vector<1000x128xf32>
    %get3A_43 = arith.constant 0 : index
    %get3A_44 = arith.constant 0 : index
    %get3A_45 = vector.load %arg7[%get3A_43, %get3A_44] : memref<1x128xf32, #tpu.memory_space<vmem>>, vector<1x128xf32>
    %add3A_46 = vector.broadcast %get3A_45 : vector<1x128xf32> to vector<1000x128xf32>
    %add3A_47 = arith.addf %mul3A_42, %add3A_46 : vector<1000x128xf32>
    %swap3A = arith.constant 0 : index
    %swap3A_48 = arith.constant 0 : index
    %swap3A_49 = vector.load %arg8[%swap3A, %swap3A_48] : memref<1000x128xf32, #tpu.memory_space<vmem>>, vector<1000x128xf32>
    tpu.vector_store %arg8[%swap3A, %swap3A_48], %add3A_47 {strides = array<i32>} : memref<1000x128xf32, #tpu.memory_space<vmem>>, vector<1000x128xf32>,
    return
  }
  func.func @transform_0(%arg0: i32) -> (i32, i32) {
    %c0_i32 = arith.constant 0 : i32
    %c0_i32_0 = arith.constant 0 : i32
    return %arg0, %c0_i32 : i32, i32
  }
  func.func @transform_1(%arg0: i32) -> (i32, i32) {
    %c0_i32 = arith.constant 0 : i32
    %c0_i32_0 = arith.constant 0 : i32
    return %arg0, %c0_i32 : i32, i32
  }
  func.func @transform_2(%arg0: i32) -> (i32, i32) {
    %c0_i32 = arith.constant 0 : i32
    %c0_i32_0 = arith.constant 0 : i32
    return %arg0, %c0_i32 : i32, i32
  }
  func.func @transform_3(%arg0: i32) -> (i32, i32) {
    %c0_i32 = arith.constant 0 : i32
    %c0_i32_0 = arith.constant 0 : i32
    %c0_i32_1 = arith.constant 0 : i32
    return %c0_i32, %c0_i32_0 : i32, i32
  }
  func.func @transform_4(%arg0: i32) -> (i32, i32) {
    %c0_i32 = arith.constant 0 : i32
    %c0_i32_0 = arith.constant 0 : i32
    %c0_i32_1 = arith.constant 0 : i32
    return %c0_i32, %c0_i32_0 : i32, i32
  }
  func.func @transform_5(%arg0: i32) -> (i32, i32) {
    %c0_i32 = arith.constant 0 : i32
    %c0_i32_0 = arith.constant 0 : i32
    %c0_i32_1 = arith.constant 0 : i32
    return %c0_i32, %c0_i32_0 : i32, i32
  }
  func.func @transform_6(%arg0: i32) -> (i32, i32) {
    %c0_i32 = arith.constant 0 : i32
    %c0_i32_0 = arith.constant 0 : i32
    %c0_i32_1 = arith.constant 0 : i32
    return %c0_i32, %c0_i32_0 : i32, i32
  }
  func.func @transform_7(%arg0: i32) -> (i32, i32) {
    %c0_i32 = arith.constant 0 : i32
    %c0_i32_0 = arith.constant 0 : i32
    return %arg0, %c0_i32 : i32, i32
  }
}

</mosaic_0001>

<sc_bundles>
// kernel: kernel.5.cloned.1.call-start
scs
__scs_entry_jumppad:
0x0: {  	(pc) =	sbr.rel $0x88, $3  }
0x1: {  	(tag) =	ssettag $0x0;
	lr =	simm.s32 $0x1  }
0x2: {  	[smem:$0x3F98] =	sst lr;
	_ =	strace $0xD0000000  }
0x3: {  	_ = 	snop  }
0x4: {  	_ = 	snop  }
0x5: {  	_ = 	snop  }
0x6: {  	_ = 	snop  }
0x7: {  	_ = 	snop  }
__scs_overlays_trampoline_lowered:
0x8: {  	[smem:$0x3FA7] =	sst s0  }
0x9: {  	[smem:$0x3FA8] =	sst s1  }
0xa: {  	[smem:$0x3FA9] =	sst s2  }
0xb: {  	[smem:$0x3FAA] =	sst s3  }
0xc: {  	[smem:$0x3FAB] =	sst s4  }
0xd: {  	[smem:$0x3FAC] =	sst s5  }
0xe: {  	[smem:$0x3FAD] =	sst s6  }
0xf: {  	[smem:$0x3FAE] =	sst s7  }
0x10: {  	[smem:$0x3FAF] =	sst s8  }
0x11: {  	[smem:$0x3FB0] =	sst s9;
	s0 =	simm.s32 @!p0 $0x0  }
0x12: {  	s1 =	sld [smem:$0x3F96];
	s0 =	simm.s32 @p0 $0x1  }
0x13: {  	[smem:$0x3FB1] =	sst s0;
	s0 =	simm.s32 @!p1 $0x0  }
0x14: {  	s2 =	sld [smem:$0x3F95];
	s0 =	simm.s32 @p1 $0x1  }
0x15: {  	[smem:$0x3FB2] =	sst s0;
	s0 =	simm.s32 @!p2 $0x0  }
0x16: {  	s3 =	sld [smem:$0x3FDB];
	s0 =	simm.s32 @p2 $0x1  }
0x17: {  	s4 =	simm.s32 $0x1BF5;
	[smem:$0x3FB4] =	sst s0  }
0x18: {  	s0 =	sld [smem:$0x3F97];
	_ =	swait.ge [sflag:s4], $0x0  }
0x19: {  	s7 =	sld [smem:$0x3F98]  }
0x1a: {  	s8 =	sadd.s32 $0xFFFFE003, lr  }
0x1b: {  	s9 =	sadd.s32 $0xFFFFFEF7, lr;
	s5 =	simm.s32 $0xFFFFFFFF;
	p2 =	slt.u32 s8, $0xFFFFF086  }
0x1c: {  	p1 =	slt.u32 s9, $0xF7A;
	s5 =	simm.s32 @!p2 $0x0  }
0x1d: {  	s5 =	simm.s32 @p1 $0x1;
	p0 =	seq.s32 s7, s2  }
0x1e: {  	s7 =	smul.u32 @!p0 $0xF7A, s2;
	p2 =	seq.s32 @!p0 s5, $0x0  }
0x1f: {  	s9 =	smul.u32 $0xF7A, s1;
	s8 =	simm.s32 @!p0 $0x1BF5;
	p2 =	por !p2, p0  }
0x20: {  	[sflag:s8] =	ssyncset.s32 @!p0 $0xFFFFF086;
	s6 =	sadd.s32 @!p0 s3, s7;
	s7 =	simm.s32 @!p0 $0x108  }
0x21: {  	s3 =	sadd.s32 s3, s9;
	s6 =	sadd.s32 @!p0 $0x88, s6;
	s7 =	simm.s32 @p2 $0x1082  }
0x22: {  	[simem:s7], [sflag:s8] =	dma.local @!p0 [hbm:s6], $0xF7A  }
0x23: {  	s9 =	sor.u32 $0xD0000000, s2;
	s6 =	simm.s32 $0x108;
	_ =	swait.ge @!p0 [sflag:s8], $0x0  }
0x24: {  	s3 =	sadd.s32 $0x88, s3;
	s6 =	simm.s32 @!p1 $0x1082;
	[sflag:s4] =	ssyncset.s32 $0xFFFFF086  }
0x25: {  	[simem:s6], [sflag:s4] =	dma.local [hbm:s3], $0xF7A  }
0x26: {  	[smem:$0x3F98] =	sst s1;
	(tag) =	ssettag s2;
	_ =	strace s9  }
0x27: {  	s1 =	sld [smem:$0x3FA8]  }
0x28: {  	s2 =	sld [smem:$0x3FA9]  }
0x29: {  	s4 =	sld [smem:$0x3FAB]  }
0x2a: {  	p0 =	seq.s32 s5, $0x0;
	s5 =	sld [smem:$0x3FAC]  }
0x2b: {  	s6 =	sld [smem:$0x3FAD]  }
0x2c: {  	s7 =	sld [smem:$0x3FAE]  }
0x2d: {  	s3 =	simm.s32 $0x108;
	s8 =	sld [smem:$0x3FAF]  }
0x2e: {  	s3 =	simm.s32 @!p0 $0x1082;
	s9 =	sld [smem:$0x3FB0]  }
0x2f: {  	lr =	sadd.s32 s0, s3;
	s0 =	sld [smem:$0x3FA7]  }
0x30: {  	s3 =	sld [smem:$0x3FAA]  }
0x31: {  	[smem:$0x3FB3] =	sst s10  }
0x32: {  	s10 =	sld [smem:$0x3FB1];
	_ =	sdelay $0x3  }
0x33: {  	p0 =	seq.s32 s10, $0x1;
	s10 =	sld [smem:$0x3FB3];
	_ =	sdelay $0x3  }
0x34: {  	[smem:$0x3FB3] =	sst s10  }
0x35: {  	s10 =	sld [smem:$0x3FB2];
	_ =	sdelay $0x3  }
0x36: {  	p1 =	seq.s32 s10, $0x1;
	s10 =	sld [smem:$0x3FB3];
	_ =	sdelay $0x3  }
0x37: {  	[smem:$0x3FB3] =	sst s10  }
0x38: {  	s10 =	sld [smem:$0x3FB4]  }
0x39: {  	_ = 	snop;
	(pc) =	sbr.ind lr, $3  }
0x3a: {  	_ = 	snop  }
0x3b: {  	_ = 	snop  }
0x3c: {  	p2 =	seq.s32 s10, $0x1;
	s10 =	sld [smem:$0x3FB3]  }
0x3d: {  	_ =	shalt  }
0x3e: {  	_ =	shalt  }
0x3f: {  	_ =	shalt  }
0x40: {  	_ =	shalt  }
0x41: {  	_ =	shalt  }
0x42: {  	_ =	shalt  }
0x43: {  	_ =	shalt  }
0x44: {  	_ =	shalt  }
0x45: {  	_ =	shalt  }
0x46: {  	_ =	shalt  }
0x47: {  	_ =	shalt  }
0x48: {  	_ =	shalt  }
0x49: {  	_ =	shalt  }
0x4a: {  	_ =	shalt  }
0x4b: {  	_ =	shalt  }
0x4c: {  	_ =	shalt  }
0x4d: {  	_ =	shalt  }
0x4e: {  	_ =	shalt  }
0x4f: {  	_ =	shalt  }
0x50: {  	_ =	shalt  }
0x51: {  	_ =	shalt  }
0x52: {  	_ =	shalt  }
0x53: {  	_ =	shalt  }
0x54: {  	_ =	shalt  }
0x55: {  	_ =	shalt  }
0x56: {  	_ =	shalt  }
0x57: {  	_ =	shalt  }
0x58: {  	_ =	shalt  }
0x59: {  	_ =	shalt  }
0x5a: {  	_ =	shalt  }
0x5b: {  	_ =	shalt  }
0x5c: {  	_ =	shalt  }
0x5d: {  	_ =	shalt  }
0x5e: {  	_ =	shalt  }
0x5f: {  	_ =	shalt  }
0x60: {  	_ =	shalt  }
0x61: {  	_ =	shalt  }
0x62: {  	_ =	shalt  }
0x63: {  	_ =	shalt  }
0x64: {  	_ =	shalt  }
0x65: {  	_ =	shalt  }
0x66: {  	_ =	shalt  }
0x67: {  	_ =	shalt  }
0x68: {  	_ =	shalt  }
0x69: {  	_ =	shalt  }
0x6a: {  	_ =	shalt  }
0x6b: {  	_ =	shalt  }
0x6c: {  	_ =	shalt  }
0x6d: {  	_ =	shalt  }
0x6e: {  	_ =	shalt  }
0x6f: {  	_ =	shalt  }
0x70: {  	_ =	shalt  }
0x71: {  	_ =	shalt  }
0x72: {  	_ =	shalt  }
0x73: {  	_ =	shalt  }
0x74: {  	_ =	shalt  }
0x75: {  	_ =	shalt  }
0x76: {  	_ =	shalt  }
0x77: {  	_ =	shalt  }
0x78: {  	_ =	shalt  }
0x79: {  	_ =	shalt  }
0x7a: {  	_ =	shalt  }
0x7b: {  	_ =	shalt  }
0x7c: {  	_ =	shalt  }
0x7d: {  	_ =	shalt  }
0x7e: {  	_ =	shalt  }
0x7f: {  	_ =	shalt  }
0x80: {  	_ =	shalt  }
0x81: {  	_ =	shalt  }
0x82: {  	_ =	shalt  }
0x83: {  	_ =	shalt  }
0x84: {  	_ =	shalt  }
0x85: {  	_ =	shalt  }
0x86: {  	_ =	shalt  }
0x87: {  	_ =	shalt  }
.Lfunc_end0:
.L_simem_size_0:
called_computation_lowered:
.L_overlay_start_0:
0x88: {  	s2 =	sld [smem:$0x3FD9]  }
0x89: {  	s3 =	sld [smem:$0x3FFE];
	_ =	sdelay $0x1  }
0x8a: {  	s1 =	srdreg.scid  }
0x8b: {  	s0 =	sand.u32 $0x1, s1  }
0x8c: {  	s17 =	sshll.u32 s0, $0xA;
	s2 =	sadd.s32 s3, s2  }
0x8d: {  	s2 =	sadd.s32 s2, s17  }
0x8e: {  	[smem:$0x3FBF] =	sst s2  }
0x8f: {  	_ = 	snop  }
0x90: {  	s2 =	sld [smem:$0x3FD0];
	(tm) =	ssettm $0x1  }
0x91: {  	s18 =	sld [smem:$0x3FFB];
	_ =	sdelay $0x3  }
0x92: {  	_ =	strace s18  }
0x93: {  	s3 =	sld [smem:$0x3FFC];
	_ =	sdelay $0x3  }
0x94: {  	_ =	strace s3  }
0x95: {  	s3 =	sld [smem:$0x3FFD];
	_ =	sdelay $0x3  }
0x96: {  	_ =	strace s3  }
0x97: {  	_ =	strace $0x8FFFFFFF  }
0x98: {  	s19 =	sld [smem:$0x3FDB];
	_ =	sdelay $0x1  }
0x99: {  	s4 =	simm.s32 $_scs_section_size  }
0x9a: {  	s5 =	simm.s32 $_size__tile_overlayer_lowered;
	s6 =	simm.s32 $_tile_overlayer_lowered  }
0x9b: {  	s22 =	simm.s32 $0x1BFF;
	s21 =	sshll.u32 s6, $0x1;
	s3 =	sadd.s32 s4, s19  }
0x9c: {  	s7 =	simm.s32 $0x0;
	s20 =	sshll.u32 s5, $0x1;
	s5 =	sadd.s32 s21, s3  }
0x9d: {  	[timem:s7], [sflag:s22] =	dma.local [hbm:s5], s20  }
0x9e: {  	_ =	swait.ge [sflag:s22], s20  }
0x9f: {  	s4 =	ssub.s32 $0x0, s20;
	[sflag:s22] =	ssyncset.done $0x0  }
0xa0: {  	[sflag:s22] =	ssyncadd.s32 s4;
	_ =	sdelay $0x1  }
0xa1: {  	s23 =	simm.s32 $0x1B8B  }
0xa2: {  	_ =	swait.ge [sflag:s23], $0x1  }
0xa3: {  	[sflag:s23] =	ssyncset.done $0x0  }
0xa4: {  	s25 =	simm.s32 $0x1B8E;
	s24 =	sld [smem:$0x3FFE];
	[sflag:s23] =	ssyncadd.s32 $0xFFFFFFFF  }
0xa5: {  	s26 =	simm.s32 $execute0_lowered;
	[smem:$0x3FD2] =	sst s25  }
0xa6: {  	s5 =	sshll.u32 s26, $0x1;
	_ =	strace $0x80000046;
	[dreg:$0x1] =	wrdreg $0xFFFFFFFF  }
0xa7: {  	s28 =	simm.s32 $_size_execute0_lowered;
	s3 =	sadd.s32 s3, s5;
	[dreg:$0x0] =	wrdreg $0x0  }
0xa8: {  	s5 =	sshll.u32 s28, $0x1;
	[dreg:$0x2] =	wrdreg s3  }
0xa9: {  	[dreg:$0x3] =	wrdreg s5  }
0xaa: {  	[dreg:$0x4] =	wrdreg $0xC0  }
0xab: {  	_ =	task [dreg:s7], $0x5FFFF  }
0xac: {  	[dreg:$0x1] =	wrdreg $0xFFFFFFFF  }
0xad: {  	[dreg:$0x0] =	wrdreg $0x60  }
0xae: {  	[dreg:$0x2] =	wrdreg s24  }
0xaf: {  	[dreg:$0x3] =	wrdreg s2  }
0xb0: {  	[dreg:$0x4] =	wrdreg $0xBD000  }
0xb1: {  	[dreg:$0x5] =	wrdreg $0x9  }
0xb2: {  	_ =	task.clear_ibuf [dreg:s7], $0x6FFFF;
	_ =	strace $0x90000046  }
0xb3: {  	s29 =	simm.s32 $0x9;
	_ =	strace $0x80000048  }
0xb4: {  	_ =	swait.ge [sflag:s29], $0x1  }
0xb5: {  	[sflag:s29] =	ssyncadd.s32 $0xFFFFFFFF  }
0xb6: {  	_ =	strace $0x90000048  }
0xb7: {  	_ =	sfence  }
0xb8: {  	s30 =	sld [smem:$0x0];
	_ =	sdelay $0x2  }
0xb9: {  	s31 =	sshll.u32 s1, $0xD;
	s1 =	sshrl.u32 s1, $0x2  }
0xba: {  	s3 =	sand.u32 $0x4000, s31;
	s1 =	sadd.s32 s1, s30  }
0xbb: {  	s0 =	sor.u32 s3, s0;
	s1 =	sshll.u32 s1, $0x11  }
0xbc: {  	s0 =	sor.u32 s1, s0  }
0xbd: {  	s0 =	sadd.s32 $0x8F2B, s0  }
0xbe: {  	[sflag:s0] =	ssyncadd.remote.s32 $0x1  }
0xbf: {  	_ =	sfence.sel $0xFFFF  }
0xc0: {  	[dreg:$0x0] =	wrdreg $0xFFFFFFFF;
	(pc) =	sbr.abs _section_cstart, $3  }
0xc1: {  	[dreg:$0x1] =	wrdreg $0xFFFFFFFF  }
0xc2: {  	_ =	task.clear_ibuf [dreg:s7], $0x2FFFF;
	_ =	strace $0x9FFFFFFF  }
0xc3: {  	(tm) =	ssettm $0x7FFFFFFF  }
tec
execute0_lowered:
.L_overlay_start_1:
0x0: {  	(tag) =	ssettag $0x1  }
0x1: {  	s0 =	rddreg [dreg:$0x0];
	s14 =	stileid.u32  }
0x2: {  	s1 =	srdreg.scid;
	s4 =	smul.u32 $0x140, s14  }
0x3: {  	s6 =	rddreg [dreg:$0x1];
	s7 =	smul.u32 $0x13800, s14  }
0x4: {  	s2 =	rddreg [dreg:$0x2];
	s3 =	simm.s32 $0x0;
	s12 =	smul.u32 $0x4E000, s14  }
0x5: {  	s28 =	simm.s32 $0x3C80;
	s1 =	sand.u32 $0x1, s1;
	s21 =	smul.u32 $0x5000, s14  }
0x6: {  	s30 =	simm.s32 $0x9D00;
	s31 =	simm.s32 $0x5;
	s5 =	smul.u32 $0xEC, s1  }
0x7: {  	s29 =	simm.s32 $0x7;
	[smem:$0x7FF] =	sst s3;
	s15 =	smul.u32 $0x138800, s1  }
0x8: {  	s18 =	sshll.u32 s14, $0x6;
	s11 =	ssub.s32 $0x2, s1;
	s19 =	smul.u32 $0xFFFFFF68, s1  }
0x9: {  	_ =	strace $0x80000047;
	s1 =	smul.u32 $0x3B00, s1;
	s13 =	sshrl.u32 s11, $0x1  }
0xa: {  	s17 =	sshrl.u32 s12, $0x2;
	s4 =	sadd.s32 s5, s4;
	s10 =	sadd.s32 s7, s15  }
0xb: {  	s5 =	sadd.s32 $0xB800, s0;
	s16 =	ssub.s32 s11, s13;
	s7 =	sshrl.u32 s7, $0x3  }
0xc: {  	s11 =	sadd.s32 s17, s2;
	s20 =	sadd.s32 $0xEC, s19;
	s25 =	sadd.s32 s1, s21  }
0xd: {  	s19 =	simm.s32 $0x3B00;
	s21 =	simm.s32 $0x3D00;
	s1 =	simm.s32 $0x1  }
0xe: {  	s8 =	sshll.u32 s4, $0x3;
	s4 =	sadd.s32 $0x139A00, s0;
	s10 =	sshrl.u32 s10, $0x3  }
0xf: {  	s6 =	sadd.s32 s6, s7;
	s7 =	sor.u32 $0x1C09, s18;
	s24 =	smax.u32 s16, $0x1  }
0x10: {  	s16 =	sadd.s32 $0x100, s25;
	s17 =	sshrl.u32 s11, $0x3;
	s18 =	simm.s32 $0x9  }
0x11: {  	s25 =	simm.s32 $0x2;
	s11 =	simm.s32 $0x0;
	[dreg:$0x4] =	wrdreg s6  }
0x12: {  	s9 =	sadd.s32 s8, s0;
	s8 =	sadd.s32 s5, s8;
	[dreg:$0xb] =	wrdreg s24  }
0x13: {  	s0 =	sadd.s32 s10, s0;
	s9 =	sadd.s32 $0x1200, s9;
	[dreg:$0x5] =	wrdreg s8  }
0x14: {  	s6 =	sshrl.u32 s20, $0x2;
	s22 =	sadd.s32 $0x8, s8;
	[dreg:$0x6] =	wrdreg s9  }
0x15: {  	s20 =	simm.s32 $0x40;
	s23 =	sadd.s32 $0x10, s8;
	[dreg:$0x7] =	wrdreg s22  }
0x16: {  	s24 =	simm.s32 $0x3C00;
	s8 =	sadd.s32 $0x18, s8;
	[dreg:$0x8] =	wrdreg s23  }
0x17: {  	s10 =	simm.s32 $0x4;
	s0 =	sadd.s32 $0x15E00, s0;
	[dreg:$0x9] =	wrdreg s8  }
0x18: {  	s26 =	ssub.s32 $0x1, s6;
	s6 =	simm.s32 $0x3;
	[dreg:$0xa] =	wrdreg s0  }
0x19: {  	[dreg:$0xc] =	wrdreg s26;
	s22 =	simm.s32 $0x3B80;
	s23 =	simm.s32 $0x5D00  }
0x1a: {  	s26 =	simm.s32 $0x7D00;
	s0 =	simm.s32 $0x6;
	s9 =	simm.s32 $0x8  }
.LBB2_1:
0x1b: {  	s8 =	rddreg [dreg:$0x4]  }
0x1c: {  	[spmem:s17], [sflag:s7] =	dma.local [hbm:s8], $0x2800  }
0x1d: {  	_ =	swait.ge [sflag:s18], $0x2800  }
0x1e: {  	[sflag:s18] =	ssyncset.done $0x0  }
0x1f: {  	[sflag:s18] =	ssyncadd.s32 $0xFFFFD800  }
0x20: {  	[bflag:$0x0] =	sbarrier.arrive $0xFFFF  }
0x21: {  	s13 =	rddreg [dreg:$0x6]  }
0x22: {  	[tilespmem:s3], [sflag:$0x9] =	stream.linear.gather [hbm4b:s13+s3], $0x3B00, $0x38;
	[tilespmem:$0x1F700] =	vst v63  }
0x23: {  	_ =	swait.ge [sflag:s18], $0x3B00  }
0x24: {  	[sflag:s18] =	ssyncset.done $0x0  }
0x25: {  	s14 =	rddreg [dreg:$0x5];
	[sflag:s18] =	ssyncadd.s32 $0xFFFFC500  }
0x26: {  	[tilespmem:s19], [sflag:$0x5] =	stream.linear.gather [hbm4b:s14+s3], $0x40, $0x38;
	[tilespmem:$0x1F700] =	vst v63  }
0x27: {  	_ = 	snop  }
0x28: {  	[tilespmem:s21], [sflag:$0x1] =	stream.indirect.gather [hbm4b:s4+s20], $0x80, s3, s20, $0xb8;
	[tilespmem:$0x1F700] =	vst v63  }
0x29: {  	s15 =	rddreg [dreg:$0x7]  }
0x2a: {  	[tilespmem:s22], [sflag:$0x6] =	stream.linear.gather [hbm4b:s15+s3], $0x40, $0x38;
	[tilespmem:$0x1F700] =	vst v63  }
0x2b: {  	_ = 	snop  }
0x2c: {  	[tilespmem:s23], [sflag:$0x2] =	stream.indirect.gather [hbm4b:s4+s20], $0x80, s20, s20, $0xb8;
	[tilespmem:$0x1F700] =	vst v63  }
0x2d: {  	s12 =	rddreg [dreg:$0x8]  }
0x2e: {  	[tilespmem:s24], [sflag:$0x7] =	stream.linear.gather [hbm4b:s12+s3], $0x40, $0x38;
	[tilespmem:$0x1F700] =	vst v63  }
0x2f: {  	s13 =	simm.s32 $0x80  }
0x30: {  	[tilespmem:s26], [sflag:$0x3] =	stream.indirect.gather [hbm4b:s4+s20], $0x80, s13, s20, $0xb8;
	[tilespmem:$0x1F700] =	vst v63  }
0x31: {  	s14 =	rddreg [dreg:$0x9]  }
0x32: {  	[tilespmem:s28], [sflag:$0x8] =	stream.linear.gather [hbm4b:s14+s3], $0x40, $0x38;
	[tilespmem:$0x1F700] =	vst v63  }
0x33: {  	s15 =	simm.s32 $0xC0  }
0x34: {  	[tilespmem:s30], [sflag:$0x4] =	stream.indirect.gather [hbm4b:s4+s20], $0x80, s15, s20, $0xb8;
	[tilespmem:$0x1F700] =	vst v63  }
0x35: {  	_ =	swait.ge [sflag:s31], $0x40  }
0x36: {  	[sflag:s31] =	ssyncset.done $0x0  }
0x37: {  	[sflag:s31] =	ssyncadd.s32 $0xFFFFFFC0  }
0x38: {  	_ =	swait.ge [sflag:s1], $0x2000  }
0x39: {  	[sflag:s1] =	ssyncset.done $0x0  }
0x3a: {  	[sflag:s1] =	ssyncadd.s32 $0xFFFFE000  }
0x3b: {  	[spmem:s2] =	stream.indirect.scatter.add.f32 [tilespmem:s21], [sflag:$0x9], $0x80, s19, s20, $0xb8;
	[tilespmem:$0x1F700] =	vst v63  }
0x3c: {  	_ =	swait.ge [sflag:s18], $0x2000  }
0x3d: {  	[sflag:s18] =	ssyncset.done $0x0  }
0x3e: {  	s12 =	simm.s32 $0x100;
	s13 =	sshrl.u32 s16, $0x3;
	[sflag:s18] =	ssyncadd.s32 $0xFFFFE000  }
0x3f: {  	[tilespmem:s21], [sflag:$0x1] =	stream.indirect.gather [hbm4b:s4+s20], $0x80, s12, s20, $0xb8;
	[tilespmem:$0x1F700] =	vst v63  }
0x40: {  	s13 =	sadd.s32 s5, s13  }
0x41: {  	[tilespmem:s19], [sflag:$0x5] =	stream.linear.gather [hbm4b:s13+s3], $0x40, $0x38;
	[tilespmem:$0x1F700] =	vst v63  }
0x42: {  	_ =	swait.ge [sflag:s0], $0x40  }
0x43: {  	[sflag:s0] =	ssyncset.done $0x0  }
0x44: {  	[sflag:s0] =	ssyncadd.s32 $0xFFFFFFC0  }
0x45: {  	_ =	swait.ge [sflag:s25], $0x2000  }
0x46: {  	[sflag:s25] =	ssyncset.done $0x0  }
0x47: {  	[sflag:s25] =	ssyncadd.s32 $0xFFFFE000  }
0x48: {  	[spmem:s2] =	stream.indirect.scatter.add.f32 [tilespmem:s23], [sflag:$0x9], $0x80, s22, s20, $0xb8;
	[tilespmem:$0x1F700] =	vst v63  }
0x49: {  	_ =	swait.ge [sflag:s18], $0x2000  }
0x4a: {  	s14 =	sadd.s32 $0x40, s16;
	[sflag:s18] =	ssyncset.done $0x0  }
0x4b: {  	s8 =	simm.s32 $0x140;
	s14 =	sshrl.u32 s14, $0x3;
	[sflag:s18] =	ssyncadd.s32 $0xFFFFE000  }
0x4c: {  	[tilespmem:s23], [sflag:$0x2] =	stream.indirect.gather [hbm4b:s4+s20], $0x80, s8, s20, $0xb8;
	[tilespmem:$0x1F700] =	vst v63  }
0x4d: {  	s13 =	sadd.s32 s5, s14  }
0x4e: {  	[tilespmem:s22], [sflag:$0x6] =	stream.linear.gather [hbm4b:s13+s3], $0x40, $0x38;
	[tilespmem:$0x1F700] =	vst v63  }
0x4f: {  	_ =	swait.ge [sflag:s29], $0x40  }
0x50: {  	[sflag:s29] =	ssyncset.done $0x0  }
0x51: {  	[sflag:s29] =	ssyncadd.s32 $0xFFFFFFC0  }
0x52: {  	_ =	swait.ge [sflag:s6], $0x2000  }
0x53: {  	[sflag:s6] =	ssyncset.done $0x0  }
0x54: {  	[sflag:s6] =	ssyncadd.s32 $0xFFFFE000  }
0x55: {  	[spmem:s2] =	stream.indirect.scatter.add.f32 [tilespmem:s26], [sflag:$0x9], $0x80, s24, s20, $0xb8;
	[tilespmem:$0x1F700] =	vst v63  }
0x56: {  	_ =	swait.ge [sflag:s18], $0x2000  }
0x57: {  	s15 =	sadd.s32 $0x80, s16;
	[sflag:s18] =	ssyncset.done $0x0  }
0x58: {  	s8 =	simm.s32 $0x180;
	s13 =	sshrl.u32 s15, $0x3;
	[sflag:s18] =	ssyncadd.s32 $0xFFFFE000  }
0x59: {  	[tilespmem:s26], [sflag:$0x3] =	stream.indirect.gather [hbm4b:s4+s20], $0x80, s8, s20, $0xb8;
	[tilespmem:$0x1F700] =	vst v63  }
0x5a: {  	s13 =	sadd.s32 s5, s13  }
0x5b: {  	[tilespmem:s24], [sflag:$0x7] =	stream.linear.gather [hbm4b:s13+s3], $0x40, $0x38;
	[tilespmem:$0x1F700] =	vst v63  }
0x5c: {  	_ =	swait.ge [sflag:s9], $0x40  }
0x5d: {  	[sflag:s9] =	ssyncset.done $0x0  }
0x5e: {  	[sflag:s9] =	ssyncadd.s32 $0xFFFFFFC0  }
0x5f: {  	_ =	swait.ge [sflag:s10], $0x2000  }
0x60: {  	[sflag:s10] =	ssyncset.done $0x0  }
0x61: {  	[sflag:s10] =	ssyncadd.s32 $0xFFFFE000  }
0x62: {  	[spmem:s2] =	stream.indirect.scatter.add.f32 [tilespmem:s30], [sflag:$0x9], $0x80, s28, s20, $0xb8;
	[tilespmem:$0x1F700] =	vst v63  }
0x63: {  	_ =	swait.ge [sflag:s18], $0x2000  }
0x64: {  	s15 =	rddreg [dreg:$0xc]  }
0x65: {  	s13 =	sadd.s32 $0x1, s15  }
0x66: {  	p0 =	seq.s32 s13, $0x0  }
.Ltmp0:
0x67: {  	_ = 	snop;
	(pc) =	sbr.rel @p0 .LBB2_3-.Ltmp0, $4  }
0x68: {  	[sflag:s18] =	ssyncset.done $0x0  }
0x69: {  	s8 =	simm.s32 $0x1C0;
	[sflag:s18] =	ssyncadd.s32 $0xFFFFE000;
	s15 =	sadd.s32 $0xC0, s16  }
0x6a: {  	[tilespmem:s30], [sflag:$0x4] =	stream.indirect.gather [hbm4b:s4+s20], $0x80, s8, s20, $0xb8;
	[tilespmem:$0x1F700] =	vst v63  }
0x6b: {  	s14 =	sadd.s32 $0x100, s16;
	s15 =	sshrl.u32 s15, $0x3  }
.LBB2_2:
0x6c: {  	s13 =	sadd.s32 $0x1, s13;
	s15 =	sadd.s32 s5, s15;
	s12 =	sadd.s32 $0x100, s12  }
0x6d: {  	[tilespmem:s28], [sflag:$0x8] =	stream.linear.gather [hbm4b:s15+s3], $0x40, $0x38;
	[tilespmem:$0x1F700] =	vst v63  }
0x6e: {  	p0 =	seq.s32 s13, $0x0;
	_ =	swait.ge [sflag:s31], $0x40  }
0x6f: {  	[sflag:s31] =	ssyncset.done $0x0  }
0x70: {  	[sflag:s31] =	ssyncadd.s32 $0xFFFFFFC0  }
0x71: {  	_ =	swait.ge [sflag:s1], $0x2000  }
0x72: {  	[sflag:s1] =	ssyncset.done $0x0  }
0x73: {  	[sflag:s1] =	ssyncadd.s32 $0xFFFFE000  }
0x74: {  	[spmem:s2] =	stream.indirect.scatter.add.f32 [tilespmem:s21], [sflag:$0x9], $0x80, s19, s20, $0xb8;
	[tilespmem:$0x1F700] =	vst v63  }
0x75: {  	_ =	swait.ge [sflag:s18], $0x2000  }
0x76: {  	[sflag:s18] =	ssyncset.done $0x0  }
0x77: {  	s15 =	sshrl.u32 s14, $0x3;
	[sflag:s18] =	ssyncadd.s32 $0xFFFFE000  }
0x78: {  	[tilespmem:s21], [sflag:$0x1] =	stream.indirect.gather [hbm4b:s4+s20], $0x80, s12, s20, $0xb8;
	[tilespmem:$0x1F700] =	vst v63  }
0x79: {  	s15 =	sadd.s32 s5, s15  }
0x7a: {  	[tilespmem:s19], [sflag:$0x5] =	stream.linear.gather [hbm4b:s15+s3], $0x40, $0x38;
	[tilespmem:$0x1F700] =	vst v63  }
0x7b: {  	_ =	swait.ge [sflag:s0], $0x40  }
0x7c: {  	[sflag:s0] =	ssyncset.done $0x0  }
0x7d: {  	[sflag:s0] =	ssyncadd.s32 $0xFFFFFFC0  }
0x7e: {  	_ =	swait.ge [sflag:s25], $0x2000  }
0x7f: {  	[sflag:s25] =	ssyncset.done $0x0  }
0x80: {  	[sflag:s25] =	ssyncadd.s32 $0xFFFFE000  }
0x81: {  	[spmem:s2] =	stream.indirect.scatter.add.f32 [tilespmem:s23], [sflag:$0x9], $0x80, s22, s20, $0xb8;
	[tilespmem:$0x1F700] =	vst v63  }
0x82: {  	_ =	swait.ge [sflag:s18], $0x2000  }
0x83: {  	[sflag:s18] =	ssyncset.done $0x0  }
0x84: {  	s8 =	sadd.s32 $0x40, s14;
	s15 =	sadd.s32 $0x40, s12;
	[sflag:s18] =	ssyncadd.s32 $0xFFFFE000  }
0x85: {  	[tilespmem:s23], [sflag:$0x2] =	stream.indirect.gather [hbm4b:s4+s20], $0x80, s15, s20, $0xb8;
	[tilespmem:$0x1F700] =	vst v63  }
0x86: {  	s8 =	sshrl.u32 s8, $0x3  }
0x87: {  	s8 =	sadd.s32 s5, s8  }
0x88: {  	[tilespmem:s22], [sflag:$0x6] =	stream.linear.gather [hbm4b:s8+s3], $0x40, $0x38;
	[tilespmem:$0x1F700] =	vst v63  }
0x89: {  	_ =	swait.ge [sflag:s29], $0x40  }
0x8a: {  	[sflag:s29] =	ssyncset.done $0x0  }
0x8b: {  	[sflag:s29] =	ssyncadd.s32 $0xFFFFFFC0  }
0x8c: {  	_ =	swait.ge [sflag:s6], $0x2000  }
0x8d: {  	[sflag:s6] =	ssyncset.done $0x0  }
0x8e: {  	[sflag:s6] =	ssyncadd.s32 $0xFFFFE000  }
0x8f: {  	[spmem:s2] =	stream.indirect.scatter.add.f32 [tilespmem:s26], [sflag:$0x9], $0x80, s24, s20, $0xb8;
	[tilespmem:$0x1F700] =	vst v63  }
0x90: {  	_ =	swait.ge [sflag:s18], $0x2000  }
0x91: {  	s15 =	sadd.s32 $0x80, s14;
	s8 =	sadd.s32 $0x80, s12;
	[sflag:s18] =	ssyncset.done $0x0  }
0x92: {  	s15 =	sshrl.u32 s15, $0x3;
	[sflag:s18] =	ssyncadd.s32 $0xFFFFE000  }
0x93: {  	[tilespmem:s26], [sflag:$0x3] =	stream.indirect.gather [hbm4b:s4+s20], $0x80, s8, s20, $0xb8;
	[tilespmem:$0x1F700] =	vst v63  }
0x94: {  	s8 =	sadd.s32 s5, s15  }
0x95: {  	[tilespmem:s24], [sflag:$0x7] =	stream.linear.gather [hbm4b:s8+s3], $0x40, $0x38;
	[tilespmem:$0x1F700] =	vst v63  }
0x96: {  	_ =	swait.ge [sflag:s9], $0x40  }
0x97: {  	[sflag:s9] =	ssyncset.done $0x0  }
0x98: {  	[sflag:s9] =	ssyncadd.s32 $0xFFFFFFC0  }
0x99: {  	_ =	swait.ge [sflag:s10], $0x2000  }
0x9a: {  	[sflag:s10] =	ssyncset.done $0x0  }
0x9b: {  	[sflag:s10] =	ssyncadd.s32 $0xFFFFE000  }
0x9c: {  	[spmem:s2] =	stream.indirect.scatter.add.f32 [tilespmem:s30], [sflag:$0x9], $0x80, s28, s20, $0xb8;
	[tilespmem:$0x1F700] =	vst v63  }
.Ltmp1:
0x9d: {  	_ = 	snop;
	(pc) =	sbr.rel @!p0 .LBB2_2-.Ltmp1, $4  }
0x9e: {  	_ =	swait.ge [sflag:s18], $0x2000  }
0x9f: {  	s15 =	sadd.s32 $0xC0, s14;
	s8 =	sadd.s32 $0xC0, s12;
	[sflag:s18] =	ssyncset.done $0x0  }
0xa0: {  	s14 =	sadd.s32 $0x100, s14;
	s15 =	sshrl.u32 s15, $0x3;
	[sflag:s18] =	ssyncadd.s32 $0xFFFFE000  }
0xa1: {  	[tilespmem:s30], [sflag:$0x4] =	stream.indirect.gather [hbm4b:s4+s20], $0x80, s8, s20, $0xb8;
	[tilespmem:$0x1F700] =	vst v63  }
.LBB2_3:
0xa2: {  	s8 =	sadd.s32 s5, s15  }
0xa3: {  	[tilespmem:s28], [sflag:$0x8] =	stream.linear.gather [hbm4b:s8+s3], $0x40, $0x38;
	[tilespmem:$0x1F700] =	vst v63  }
0xa4: {  	_ =	swait.ge [sflag:s31], $0x40  }
0xa5: {  	[sflag:s31] =	ssyncset.done $0x0  }
0xa6: {  	[sflag:s31] =	ssyncadd.s32 $0xFFFFFFC0  }
0xa7: {  	_ =	swait.ge [sflag:s1], $0x2000  }
0xa8: {  	[sflag:s1] =	ssyncset.done $0x0  }
0xa9: {  	[sflag:s1] =	ssyncadd.s32 $0xFFFFE000  }
0xaa: {  	[spmem:s2] =	stream.indirect.scatter.add.f32 [tilespmem:s21], [sflag:$0x9], $0x80, s19, s20, $0xb8;
	[tilespmem:$0x1F700] =	vst v63  }
0xab: {  	_ =	swait.ge [sflag:s18], $0x2000  }
0xac: {  	[sflag:s18] =	ssyncset.done $0x0  }
0xad: {  	[sflag:s18] =	ssyncadd.s32 $0xFFFFE000  }
0xae: {  	_ =	swait.ge [sflag:s0], $0x40  }
0xaf: {  	[sflag:s0] =	ssyncset.done $0x0  }
0xb0: {  	[sflag:s0] =	ssyncadd.s32 $0xFFFFFFC0  }
0xb1: {  	_ =	swait.ge [sflag:s25], $0x2000  }
0xb2: {  	[sflag:s25] =	ssyncset.done $0x0  }
0xb3: {  	[sflag:s25] =	ssyncadd.s32 $0xFFFFE000  }
0xb4: {  	[spmem:s2] =	stream.indirect.scatter.add.f32 [tilespmem:s23], [sflag:$0x9], $0x80, s22, s20, $0xb8;
	[tilespmem:$0x1F700] =	vst v63  }
0xb5: {  	_ =	swait.ge [sflag:s18], $0x2000  }
0xb6: {  	[sflag:s18] =	ssyncset.done $0x0  }
0xb7: {  	[sflag:s18] =	ssyncadd.s32 $0xFFFFE000  }
0xb8: {  	_ =	swait.ge [sflag:s29], $0x40  }
0xb9: {  	[sflag:s29] =	ssyncset.done $0x0  }
0xba: {  	[sflag:s29] =	ssyncadd.s32 $0xFFFFFFC0  }
0xbb: {  	_ =	swait.ge [sflag:s6], $0x2000  }
0xbc: {  	[sflag:s6] =	ssyncset.done $0x0  }
0xbd: {  	[sflag:s6] =	ssyncadd.s32 $0xFFFFE000  }
0xbe: {  	[spmem:s2] =	stream.indirect.scatter.add.f32 [tilespmem:s26], [sflag:$0x9], $0x80, s24, s20, $0xb8;
	[tilespmem:$0x1F700] =	vst v63  }
0xbf: {  	_ =	swait.ge [sflag:s18], $0x2000  }
0xc0: {  	[sflag:s18] =	ssyncset.done $0x0  }
0xc1: {  	[sflag:s18] =	ssyncadd.s32 $0xFFFFE000  }
0xc2: {  	_ =	swait.ge [sflag:s9], $0x40  }
0xc3: {  	[sflag:s9] =	ssyncset.done $0x0  }
0xc4: {  	[sflag:s9] =	ssyncadd.s32 $0xFFFFFFC0  }
0xc5: {  	_ =	swait.ge [sflag:s10], $0x2000  }
0xc6: {  	[sflag:s10] =	ssyncset.done $0x0  }
0xc7: {  	[sflag:s10] =	ssyncadd.s32 $0xFFFFE000  }
0xc8: {  	[spmem:s2] =	stream.indirect.scatter.add.f32 [tilespmem:s30], [sflag:$0x9], $0x80, s28, s20, $0xb8;
	[tilespmem:$0x1F700] =	vst v63  }
0xc9: {  	_ =	swait.ge [sflag:s18], $0x2000  }
0xca: {  	[sflag:s18] =	ssyncset.done $0x0  }
0xcb: {  	[sflag:s18] =	ssyncadd.s32 $0xFFFFE000  }
0xcc: {  	[bflag:$0x0] =	sbarrier.arrive $0xFFFF  }
0xcd: {  	s14 =	rddreg [dreg:$0xa]  }
0xce: {  	[hbm:s14], [sflag:s7] =	dma.local [spmem:s17], $0x2800  }
0xcf: {  	_ =	swait.ge [sflag:s18], $0x2800  }
0xd0: {  	s11 =	sadd.s32 $0x1, s11;
	s15 =	rddreg [dreg:$0xb]  }
0xd1: {  	p0 =	sne.s32 s11, s15  }
.Ltmp2:
0xd2: {  	_ = 	snop;
	(pc) =	sbr.rel @p0 .LBB2_1-.Ltmp2, $3  }
0xd3: {  	_ =	sdelay $0x1  }
0xd4: {  	[sflag:s18] =	ssyncset.done $0x0  }
0xd5: {  	[sflag:s18] =	ssyncadd.s32 $0xFFFFD800  }
0xd6: {  	_ =	sfence.sel $0x180000  }
0xd7: {  	[bflag:$0x0] =	sbarrier.arrive $0xFFFF  }
0xd8: {  	_ =	strace $0x90000047  }
0xd9: {  	s0 =	stileid.u32;
	[bflag:$0x2] =	sbarrier.arrive $0xFFFF  }
0xda: {  	p0 =	sne.s32 s0, $0x0;
	s0 =	rddreg [dreg:$0x3]  }
0xdb: {  	s0 =	sadd.s32 @!p0 $0x100000, s0  }
0xdc: {  	[sflag:s0] =	ssyncadd.tile.s32 @!p0 $0x1;
	_ =	shalt  }
.Lfunc_end2:
_tile_overlayer_lowered:
.L_overlay_start_2:
0xdd: {  	(tag) =	ssettag $0x2  }
0xde: {  	s0 =	rddreg [dreg:$0x0];
	s2 =	stileid.u32  }
0xdf: {  	s1 =	rddreg [dreg:$0x1];
	p0 =	sne.s32 s2, $0x0  }
0xe0: {  	s3 =	rddreg [dreg:$0x2];
	[bflag:$0x3] =	sbarrier.arrive $0xFFFF;
	s2 =	simm.s32 @!p0 $0x1C09  }
0xe1: {  	[timem:s3], [sflag:s2] =	dma.local @!p0 [hbm:s0], s1  }
0xe2: {  	s0 =	simm.s32 @!p0 $0x9  }
0xe3: {  	_ =	swait.ge @!p0 [sflag:s0], s1  }
0xe4: {  	s1 =	ssub.s32 @!p0 $0x0, s1;
	[sflag:s0] =	ssyncset.done @!p0 $0x0  }
0xe5: {  	[sflag:s0] =	ssyncadd.s32 @!p0 s1  }
0xe6: {  	[bflag:$0x3] =	sbarrier.arrive $0xFFFF  }
0xe7: {  	_ =	shalt  }

</sc_bundles>
